<compile_context>
chip_gen: v7x
topology: tpu7x:2x2x1
jax: 0.10.2.dev20260603
libtpu: 0.0.44.dev20260713+nightly
codegen_flags: <defaults>
</compile_context>

<pallas_src>
import jax
import jax.numpy as jnp
from jax import lax
from jax.experimental import pallas as pl
from jax.experimental.pallas import tpu as pltpu
from jax.experimental.pallas import tpu_sc as plsc

N = 10000
E = 160000
D = 256
H = 128
NP = 10240
PE = 163840
NSC = 2
NT = 16
CH = 128

ECH = 64
NBUF = 3
NCH = PE // NT // ECH
SRC_ROWS = PE // NT // CH
SUB = CH // ECH
NSUP = NCH // 16

_MESH = dict(core_axis_name="c", subcore_axis_name="s")


def _hist_body(srch, out_hbm, accum, idx_v, ones_v, zbuf):
    c = lax.axis_index("c")
    s = lax.axis_index("s")
    t = c * NT + s

    pltpu.sync_copy(srch.at[pl.ds(40 * t, 40)], idx_v)

    for k in range(8):
        ones_v[pl.ds(16 * k, 16)] = jnp.ones((16,), jnp.float32)

    def _zb(i, _):
        zbuf[pl.ds(pl.multiple_of(16 * i, 16), 16)] = jnp.zeros((16,), jnp.float32)
        return 0

    lax.fori_loop(0, 40, _zb, 0)

    pltpu.sync_copy(zbuf, accum.at[pl.ds(640 * s, 640)])
    plsc.subcore_barrier()

    def _body(j, _):
        pltpu.sync_copy(ones_v, accum.at[idx_v.at[j]], add=True)
        return 0

    lax.fori_loop(0, 40, _body, 0)
    plsc.subcore_barrier()

    pltpu.sync_copy(accum.at[pl.ds(640 * s, 640)], out_hbm.at[c].at[pl.ds(640 * s, 640)])


_hist = pl.kernel(
    _hist_body,
    out_type=jax.ShapeDtypeStruct((NSC, NP), jnp.float32),
    mesh=plsc.VectorSubcoreMesh(**_MESH),
    scratch_types=[
        pltpu.VMEM_SHARED((NP,), jnp.float32),
        pltpu.VMEM((40, CH), jnp.int32),
        pltpu.VMEM((CH,), jnp.float32),
        pltpu.VMEM((640,), jnp.float32),
    ],
)


def _agg_body(srcagg, dstp, y_hbm, out_hbm, accum, src_v, dst_v, rows_v, zbuf,
              sem_g, sem_s, sem_i):
    c = lax.axis_index("c")
    s = lax.axis_index("s")

    pltpu.sync_copy(srcagg.at[c].at[pl.ds(SRC_ROWS * s, SRC_ROWS)], src_v)
    pltpu.sync_copy(dstp.at[pl.ds(NSUP * s, 2)], dst_v)

    def _zb(i, _):
        r = i // 8
        k = i % 8
        zbuf[r, pl.ds(pl.multiple_of(16 * k, 16), 16)] = jnp.zeros((16,), jnp.float32)
        return 0

    lax.fori_loop(0, 64 * 8, _zb, 0)
    for q in range(10):
        pltpu.sync_copy(zbuf, accum.at[pl.ds(640 * s + 64 * q, 64)])
    plsc.subcore_barrier()

    def _g(j, b):
        idx = src_v.at[j // SUB].at[pl.ds(pl.multiple_of(ECH * (j % SUB), ECH), ECH)]
        return pltpu.make_async_copy(y_hbm.at[idx], rows_v.at[b], sem_g.at[b])

    def _s(j, b):
        slot = lax.rem(j // 16, 2)
        idx = dst_v.at[slot].at[lax.rem(j, 16)]
        return pltpu.make_async_copy(rows_v.at[b], accum.at[idx], sem_s.at[b])

    def _i(u):
        slot = lax.rem(u, 2)
        return pltpu.make_async_copy(dstp.at[NSUP * s + u], dst_v.at[slot],
                                     sem_i.at[slot])

    for b0 in range(NBUF):
        _g(b0, b0).start()

    def _body(j, _):
        b = lax.rem(j, NBUF)
        _g(j, b).wait()

        @pl.when((lax.rem(j, 16) == 0) & (j >= 32))
        def _():
            _i(j // 16).wait()

        _s(j, b).start(add=True)

        @pl.when(j >= 1)
        def _():
            b1 = lax.rem(j + NBUF - 1, NBUF)
            _s(j - 1, b1).wait()

            @pl.when(j + NBUF - 1 < NCH)
            def _():
                _g(j + NBUF - 1, b1).start()

        @pl.when((lax.rem(j, 16) == 0) & (j >= 16) & (j // 16 + 1 < NSUP))
        def _():
            _i(j // 16 + 1).start()

        return 0

    lax.fori_loop(0, NCH, _body, 0)
    _s(NCH - 1, lax.rem(NCH - 1, NBUF)).wait()
    plsc.subcore_barrier()

    pltpu.sync_copy(accum.at[pl.ds(640 * s, 640)], out_hbm.at[c].at[pl.ds(640 * s, 640)])


_agg = pl.kernel(
    _agg_body,
    out_type=jax.ShapeDtypeStruct((NSC, NP, H), jnp.float32),
    mesh=plsc.VectorSubcoreMesh(**_MESH),
    scratch_types=[
        pltpu.VMEM_SHARED((NP, H), jnp.float32),
        pltpu.VMEM((SRC_ROWS, CH), jnp.int32),
        pltpu.VMEM((2, 16, ECH), jnp.int32),
        pltpu.VMEM((NBUF, ECH, H), jnp.float32),
        pltpu.VMEM((64, H), jnp.float32),
        pltpu.SemaphoreType.DMA((NBUF,)),
        pltpu.SemaphoreType.DMA((NBUF,)),
        pltpu.SemaphoreType.DMA((2,)),
    ],
)


def _mm_body(x_ref, w_ref, deg_ref, y_ref):
    rdeg = lax.rsqrt(deg_ref[0] + deg_ref[1])
    z = lax.dot_general(
        x_ref[...], w_ref[...],
        (((1,), (1,)), ((), ())),
        preferred_element_type=jnp.float32,
        precision=lax.Precision.HIGHEST,
    )
    y_ref[...] = z * rdeg


def _tc_mm(x, W, deg3):
    R = 1000
    return pl.pallas_call(
        _mm_body,
        grid=(N // R, NSC),
        in_specs=[
            pl.BlockSpec((R, D), lambda i, h: (i, 0)),
            pl.BlockSpec((H, D), lambda i, h: (h, 0)),
            pl.BlockSpec((NSC, R, 1), lambda i, h: (0, i, 0)),
        ],
        out_specs=pl.BlockSpec((R, H), lambda i, h: (h * (N // R) + i, 0)),
        out_shape=jax.ShapeDtypeStruct((NSC * N, H), jnp.float32),
    )(x, W, deg3)


def _ep_body(agg_ref, deg_ref, b_ref, out_ref):
    rdeg = lax.rsqrt(deg_ref[0] + deg_ref[1])
    out_ref[:, :H] = agg_ref[0] * rdeg + b_ref[0, :H]
    out_ref[:, H:] = agg_ref[1] * rdeg + b_ref[0, H:]


def _tc_ep(agg, deg3, b2):
    R = 1000
    return pl.pallas_call(
        _ep_body,
        grid=(N // R,),
        in_specs=[
            pl.BlockSpec((NSC, R, H), lambda i: (0, i, 0)),
            pl.BlockSpec((NSC, R, 1), lambda i: (0, i, 0)),
            pl.BlockSpec((1, D), lambda i: (0, 0)),
        ],
        out_specs=pl.BlockSpec((R, D), lambda i: (i, 0)),
        out_shape=jax.ShapeDtypeStruct((N, D), jnp.float32),
    )(agg, deg3, b2)


def kernel(x, edge_index, W, b):
    src = edge_index[0]
    dst = edge_index[1]
    pad = PE - E
    dummy = N + (jnp.arange(pad, dtype=jnp.int32) % (NP - N))
    srch = jnp.concatenate([src, dummy]).reshape(PE // CH, CH)
    src0 = jnp.concatenate([src, jnp.zeros((pad,), jnp.int32)])
    srcagg = jnp.stack([src0, src0 + N]).reshape(NSC, NT * SRC_ROWS, CH)
    dstp = jnp.concatenate([dst, dummy]).reshape(NT * NSUP, 16, ECH)

    deg2 = _hist(srch)
    deg3 = deg2.reshape(NSC, NP, 1)
    y = _tc_mm(x, W, deg3)
    agg = _agg(srcagg, dstp, y)
    return _tc_ep(agg, deg3, b.reshape(1, D))

# --- scband reference (transcript-rebuilt; emitter-appended) ---
"""Pipeline reference for scband-gcnlayer-70961449665140 (READ-ONLY COPY).

The authoritative reference and input builder live on the scoring server;
editing this copy changes nothing except your own understanding.
"""

import jax, jax.numpy as jnp
import numpy as np

N = 10000
E = 160000
D_IN = 256
D_OUT = 256


def setup_inputs(seed: int = 0) -> dict:
    key = jax.random.key(seed)
    k1, k2, k3, k4 = jax.random.split(key, 4)
    x = jax.random.normal(k1, (N, D_IN), dtype=jnp.float32)
    edge_index = jax.random.randint(k2, (2, E), 0, N, dtype=jnp.int32)
    # Learned params of nn.Linear(D_IN, D_OUT)
    W = jax.random.normal(k3, (D_OUT, D_IN), dtype=jnp.float32) / np.sqrt(D_IN)
    b = jax.random.normal(k4, (D_OUT,), dtype=jnp.float32) * 0.01
    return {"x": x, "edge_index": edge_index, "W": W, "b": b}


def reference(x, edge_index, W, b):
    src = edge_index[0]
    dst = edge_index[1]
    # graph.out_degrees(): count of outgoing edges per node (src endpoint)
    degrees = jax.ops.segment_sum(jnp.ones((E,), dtype=jnp.float32), src, num_segments=N)
    # ops.u_mul_v(graph, degrees, degrees): per-edge product deg[src] * deg[dst]
    degree_edge_products = degrees[src] * degrees[dst]
    norm_coefs = 1.0 / degree_edge_products ** 0.5
    # ops.u_mul_e_sum: message = x[src] * norm_edge, summed into dst nodes
    messages = x[src] * norm_coefs[:, None]
    agg = jax.ops.segment_sum(messages, dst, num_segments=N)
    # feed_forward_module: Linear
    out = agg @ W.T + b
    return out

if __name__ == "__main__":
    import jax
    _d = setup_inputs()
    print(jax.jit(kernel)(*tuple(_d.values())))

</pallas_src>

<mosaic_0001>
#map = affine_map<(d0, d1) -> (0, 0)>
module attributes {stable_mosaic.version = 14 : i64} {
  func.func @_hist_body(%arg0: i32, %arg1: i32, %arg2: memref<1280x128xi32, #tpu.memory_space<hbm>>, %arg3: memref<2x10240xf32, #tpu.memory_space<hbm>>, %arg4: memref<10240xf32, #tpu.memory_space<vmem_shared>>, %arg5: memref<40x128xi32, #tpu.memory_space<vmem>>, %arg6: memref<128xf32, #tpu.memory_space<vmem>>, %arg7: memref<640xf32, #tpu.memory_space<vmem>>) attributes {dimension_semantics = [#tpu.dimension_semantics<core_parallel>, #tpu.dimension_semantics<subcore_parallel>], iteration_bounds = array<i64: 2, 16>, scalar_prefetch = 0 : i64, scratch_operands = 4 : i64, tpu.core_type = #tpu.core_type<sc_vector_subcore>, window_params = [{transform_indices = #map}, {transform_indices = #map}]} {
    %mul3A = arith.constant 16 : i32
    %mul3A_0 = arith.muli %arg0, %mul3A : i32
    %add3A = arith.addi %mul3A_0, %arg1 : i32
    %mul3A_1 = arith.constant 40 : i32
    %mul3A_2 = arith.muli %mul3A_1, %add3A : i32
    "tpu.region"() ({
      %run_scoped3A = tpu.sem_alloc : memref<!tpu.dma_semaphore, #tpu.memory_space<semaphore_mem>>
      %dma_start3A = arith.constant 0 : i32
      %dma_start3A_69 = tpu.memref_slice %arg2[%mul3A_2, %dma_start3A] : memref<1280x128xi32, #tpu.memory_space<hbm>> -> memref<40x128xi32, #tpu.memory_space<hbm>>
      %dma_start3A_70 = arith.constant 0 : i32
      %dma_start3A_71 = tpu.memref_slice %arg2[%mul3A_2, %dma_start3A_70] : memref<1280x128xi32, #tpu.memory_space<hbm>> -> memref<40x128xi32, #tpu.memory_space<hbm>>
      tpu.enqueue_dma source(%dma_start3A_71 : memref<40x128xi32, #tpu.memory_space<hbm>>) target(%arg5 : memref<40x128xi32, #tpu.memory_space<vmem>>) target_semaphore(%run_scoped3A : memref<!tpu.dma_semaphore, #tpu.memory_space<semaphore_mem>>)
      %dma_wait3A = arith.constant 0 : i32
      %dma_wait3A_72 = tpu.memref_slice %arg2[%mul3A_2, %dma_wait3A] : memref<1280x128xi32, #tpu.memory_space<hbm>> -> memref<40x128xi32, #tpu.memory_space<hbm>>
      %dma_wait3A_73 = arith.constant 0 : i32
      %dma_wait3A_74 = tpu.memref_slice %arg2[%mul3A_2, %dma_wait3A_73] : memref<1280x128xi32, #tpu.memory_space<hbm>> -> memref<40x128xi32, #tpu.memory_space<hbm>>
      tpu.wait_dma2 semaphore(%run_scoped3A : memref<!tpu.dma_semaphore, #tpu.memory_space<semaphore_mem>>) src(%dma_wait3A_74 : memref<40x128xi32, #tpu.memory_space<hbm>>) dst(%arg5 : memref<40x128xi32, #tpu.memory_space<vmem>>)
      tpu.yield
    }) : () -> ()
    %broadcast_in_dim3A = arith.constant 1.000000e+00 : f32
    %broadcast_in_dim3A_3 = vector.broadcast %broadcast_in_dim3A : f32 to vector<16xf32>
    %swap3A = arith.constant 0 : index
    %swap3A_4 = tpu.vector_load %arg6[%swap3A] {strides = array<i32>} : memref<128xf32, #tpu.memory_space<vmem>>, vector<16xf32>,
    %swap3A_5 = vector.shape_cast %swap3A_4 : vector<16xf32> to vector<16xf32>
    %swap3A_6 = vector.shape_cast %broadcast_in_dim3A_3 : vector<16xf32> to vector<16xf32>
    tpu.vector_store %arg6[%swap3A], %swap3A_6 {strides = array<i32>} : memref<128xf32, #tpu.memory_space<vmem>>, vector<16xf32>,
    %broadcast_in_dim3A_7 = arith.constant 1.000000e+00 : f32
    %broadcast_in_dim3A_8 = vector.broadcast %broadcast_in_dim3A_7 : f32 to vector<16xf32>
    %swap3A_9 = arith.constant 16 : index
    %swap3A_10 = tpu.vector_load %arg6[%swap3A_9] {strides = array<i32>} : memref<128xf32, #tpu.memory_space<vmem>>, vector<16xf32>,
    %swap3A_11 = vector.shape_cast %swap3A_10 : vector<16xf32> to vector<16xf32>
    %swap3A_12 = vector.shape_cast %broadcast_in_dim3A_8 : vector<16xf32> to vector<16xf32>
    tpu.vector_store %arg6[%swap3A_9], %swap3A_12 {strides = array<i32>} : memref<128xf32, #tpu.memory_space<vmem>>, vector<16xf32>,
    %broadcast_in_dim3A_13 = arith.constant 1.000000e+00 : f32
    %broadcast_in_dim3A_14 = vector.broadcast %broadcast_in_dim3A_13 : f32 to vector<16xf32>
    %swap3A_15 = arith.constant 32 : index
    %swap3A_16 = tpu.vector_load %arg6[%swap3A_15] {strides = array<i32>} : memref<128xf32, #tpu.memory_space<vmem>>, vector<16xf32>,
    %swap3A_17 = vector.shape_cast %swap3A_16 : vector<16xf32> to vector<16xf32>
    %swap3A_18 = vector.shape_cast %broadcast_in_dim3A_14 : vector<16xf32> to vector<16xf32>
    tpu.vector_store %arg6[%swap3A_15], %swap3A_18 {strides = array<i32>} : memref<128xf32, #tpu.memory_space<vmem>>, vector<16xf32>,
    %broadcast_in_dim3A_19 = arith.constant 1.000000e+00 : f32
    %broadcast_in_dim3A_20 = vector.broadcast %broadcast_in_dim3A_19 : f32 to vector<16xf32>
    %swap3A_21 = arith.constant 48 : index
    %swap3A_22 = tpu.vector_load %arg6[%swap3A_21] {strides = array<i32>} : memref<128xf32, #tpu.memory_space<vmem>>, vector<16xf32>,
    %swap3A_23 = vector.shape_cast %swap3A_22 : vector<16xf32> to vector<16xf32>
    %swap3A_24 = vector.shape_cast %broadcast_in_dim3A_20 : vector<16xf32> to vector<16xf32>
    tpu.vector_store %arg6[%swap3A_21], %swap3A_24 {strides = array<i32>} : memref<128xf32, #tpu.memory_space<vmem>>, vector<16xf32>,
    %broadcast_in_dim3A_25 = arith.constant 1.000000e+00 : f32
    %broadcast_in_dim3A_26 = vector.broadcast %broadcast_in_dim3A_25 : f32 to vector<16xf32>
    %swap3A_27 = arith.constant 64 : index
    %swap3A_28 = tpu.vector_load %arg6[%swap3A_27] {strides = array<i32>} : memref<128xf32, #tpu.memory_space<vmem>>, vector<16xf32>,
    %swap3A_29 = vector.shape_cast %swap3A_28 : vector<16xf32> to vector<16xf32>
    %swap3A_30 = vector.shape_cast %broadcast_in_dim3A_26 : vector<16xf32> to vector<16xf32>
    tpu.vector_store %arg6[%swap3A_27], %swap3A_30 {strides = array<i32>} : memref<128xf32, #tpu.memory_space<vmem>>, vector<16xf32>,
    %broadcast_in_dim3A_31 = arith.constant 1.000000e+00 : f32
    %broadcast_in_dim3A_32 = vector.broadcast %broadcast_in_dim3A_31 : f32 to vector<16xf32>
    %swap3A_33 = arith.constant 80 : index
    %swap3A_34 = tpu.vector_load %arg6[%swap3A_33] {strides = array<i32>} : memref<128xf32, #tpu.memory_space<vmem>>, vector<16xf32>,
    %swap3A_35 = vector.shape_cast %swap3A_34 : vector<16xf32> to vector<16xf32>
    %swap3A_36 = vector.shape_cast %broadcast_in_dim3A_32 : vector<16xf32> to vector<16xf32>
    tpu.vector_store %arg6[%swap3A_33], %swap3A_36 {strides = array<i32>} : memref<128xf32, #tpu.memory_space<vmem>>, vector<16xf32>,
    %broadcast_in_dim3A_37 = arith.constant 1.000000e+00 : f32
    %broadcast_in_dim3A_38 = vector.broadcast %broadcast_in_dim3A_37 : f32 to vector<16xf32>
    %swap3A_39 = arith.constant 96 : index
    %swap3A_40 = tpu.vector_load %arg6[%swap3A_39] {strides = array<i32>} : memref<128xf32, #tpu.memory_space<vmem>>, vector<16xf32>,
    %swap3A_41 = vector.shape_cast %swap3A_40 : vector<16xf32> to vector<16xf32>
    %swap3A_42 = vector.shape_cast %broadcast_in_dim3A_38 : vector<16xf32> to vector<16xf32>
    tpu.vector_store %arg6[%swap3A_39], %swap3A_42 {strides = array<i32>} : memref<128xf32, #tpu.memory_space<vmem>>, vector<16xf32>,
    %broadcast_in_dim3A_43 = arith.constant 1.000000e+00 : f32
    %broadcast_in_dim3A_44 = vector.broadcast %broadcast_in_dim3A_43 : f32 to vector<16xf32>
    %swap3A_45 = arith.constant 112 : index
    %swap3A_46 = tpu.vector_load %arg6[%swap3A_45] {strides = array<i32>} : memref<128xf32, #tpu.memory_space<vmem>>, vector<16xf32>,
    %swap3A_47 = vector.shape_cast %swap3A_46 : vector<16xf32> to vector<16xf32>
    %swap3A_48 = vector.shape_cast %broadcast_in_dim3A_44 : vector<16xf32> to vector<16xf32>
    tpu.vector_store %arg6[%swap3A_45], %swap3A_48 {strides = array<i32>} : memref<128xf32, #tpu.memory_space<vmem>>, vector<16xf32>,
    %scan3A = arith.constant 0 : i32
    %scan3A_49 = arith.constant 0 : i32
    %scan3A_50 = arith.constant 40 : i32
    %scan3A_51 = arith.addi %scan3A_49, %scan3A_50 : i32
    %scan3A_52 = arith.constant 1 : i32
    %scan3A_53 = scf.for %scan3A_69 = %scan3A_49 to %scan3A_51 step %scan3A_52 iter_args(%scan3A_70 = %scan3A) -> (i32)  : i32 {
      %broadcast_in_dim3A_71 = arith.constant 0.000000e+00 : f32
      %broadcast_in_dim3A_72 = vector.broadcast %broadcast_in_dim3A_71 : f32 to vector<16xf32>
      %mul3A_73 = arith.constant 16 : i32
      %mul3A_74 = arith.muli %mul3A_73, %scan3A_69 : i32
      %multiple_of3A = tpu.assume_multiple %mul3A_74, 16 : i32
      %swap3A_75 = arith.index_cast %multiple_of3A : i32 to index
      %swap3A_76 = tpu.vector_load %arg7[%swap3A_75] {strides = array<i32>} : memref<640xf32, #tpu.memory_space<vmem>>, vector<16xf32>,
      %swap3A_77 = vector.shape_cast %swap3A_76 : vector<16xf32> to vector<16xf32>
      %swap3A_78 = vector.shape_cast %broadcast_in_dim3A_72 : vector<16xf32> to vector<16xf32>
      tpu.vector_store %arg7[%swap3A_75], %swap3A_78 {strides = array<i32>} : memref<640xf32, #tpu.memory_space<vmem>>, vector<16xf32>,
      %scan3A_79 = arith.constant 0 : i32
      scf.yield %scan3A_79 : i32
    }
    %scan3A_54 = arith.constant 40 : i32
    %mul3A_55 = arith.constant 640 : i32
    %mul3A_56 = arith.muli %mul3A_55, %arg1 : i32
    "tpu.region"() ({
      %run_scoped3A = tpu.sem_alloc : memref<!tpu.dma_semaphore, #tpu.memory_space<semaphore_mem>>
      %dma_start3A = tpu.memref_slice %arg4[%mul3A_56] : memref<10240xf32, #tpu.memory_space<vmem_shared>> -> memref<640xf32, #tpu.memory_space<vmem_shared>>
      %dma_start3A_69 = tpu.memref_slice %arg4[%mul3A_56] : memref<10240xf32, #tpu.memory_space<vmem_shared>> -> memref<640xf32, #tpu.memory_space<vmem_shared>>
      tpu.enqueue_dma source(%arg7 : memref<640xf32, #tpu.memory_space<vmem>>) target(%dma_start3A_69 : memref<640xf32, #tpu.memory_space<vmem_shared>>) target_semaphore(%run_scoped3A : memref<!tpu.dma_semaphore, #tpu.memory_space<semaphore_mem>>)
      %dma_wait3A = tpu.memref_slice %arg4[%mul3A_56] : memref<10240xf32, #tpu.memory_space<vmem_shared>> -> memref<640xf32, #tpu.memory_space<vmem_shared>>
      %dma_wait3A_70 = tpu.memref_slice %arg4[%mul3A_56] : memref<10240xf32, #tpu.memory_space<vmem_shared>> -> memref<640xf32, #tpu.memory_space<vmem_shared>>
      tpu.wait_dma2 semaphore(%run_scoped3A : memref<!tpu.dma_semaphore, #tpu.memory_space<semaphore_mem>>) src(%arg7 : memref<640xf32, #tpu.memory_space<vmem>>) dst(%dma_wait3A_70 : memref<640xf32, #tpu.memory_space<vmem_shared>>)
      tpu.yield
    }) : () -> ()
    %barrier3A = arith.constant 0 : index
    tpu.barrier barrier_id(%barrier3A)
    %scan3A_57 = arith.constant 0 : i32
    %scan3A_58 = arith.constant 0 : i32
    %scan3A_59 = arith.constant 40 : i32
    %scan3A_60 = arith.addi %scan3A_58, %scan3A_59 : i32
    %scan3A_61 = arith.constant 1 : i32
    %scan3A_62 = scf.for %scan3A_69 = %scan3A_58 to %scan3A_60 step %scan3A_61 iter_args(%scan3A_70 = %scan3A_57) -> (i32)  : i32 {
      "tpu.region"() ({
        %run_scoped3A = tpu.sem_alloc : memref<!tpu.dma_semaphore, #tpu.memory_space<semaphore_mem>>
        %dma_start3A = arith.constant 0 : i32
        %dma_start3A_72 = tpu.memref_slice %arg5[%scan3A_69, %dma_start3A] : memref<40x128xi32, #tpu.memory_space<vmem>> -> memref<1x128xi32, #tpu.memory_space<vmem>>
        %dma_start3A_73 = tpu.memref_squeeze %dma_start3A_72 : memref<1x128xi32, #tpu.memory_space<vmem>> -> memref<128xi32, #tpu.memory_space<vmem>>
        %dma_start3A_74 = arith.constant 0 : i32
        %dma_start3A_75 = tpu.memref_slice %arg4[%dma_start3A_74] : memref<10240xf32, #tpu.memory_space<vmem_shared>> -> memref<10240xf32, #tpu.memory_space<vmem_shared>>
        tpu.enqueue_indirect_dma source(%arg6 : memref<128xf32, #tpu.memory_space<vmem>>) target(%dma_start3A_75 : memref<10240xf32, #tpu.memory_space<vmem_shared>>) offsets(%dma_start3A_73 : memref<128xi32, #tpu.memory_space<vmem>>) semaphore(%run_scoped3A : memref<!tpu.dma_semaphore, #tpu.memory_space<semaphore_mem>>) {add = true}
        %dma_wait3A = arith.constant 0 : i32
        %dma_wait3A_76 = tpu.memref_slice %arg5[%scan3A_69, %dma_wait3A] : memref<40x128xi32, #tpu.memory_space<vmem>> -> memref<1x128xi32, #tpu.memory_space<vmem>>
        %dma_wait3A_77 = tpu.memref_squeeze %dma_wait3A_76 : memref<1x128xi32, #tpu.memory_space<vmem>> -> memref<128xi32, #tpu.memory_space<vmem>>
        %dma_wait3A_78 = arith.constant 0 : i32
        %dma_wait3A_79 = tpu.memref_slice %arg4[%dma_wait3A_78] : memref<10240xf32, #tpu.memory_space<vmem_shared>> -> memref<10240xf32, #tpu.memory_space<vmem_shared>>
        tpu.wait_indirect_dma semaphore(%run_scoped3A : memref<!tpu.dma_semaphore, #tpu.memory_space<semaphore_mem>>) src(%arg6 : memref<128xf32, #tpu.memory_space<vmem>>) dst(%dma_wait3A_79 : memref<10240xf32, #tpu.memory_space<vmem_shared>>)
        tpu.yield
      }) : () -> ()
      %scan3A_71 = arith.constant 0 : i32
      scf.yield %scan3A_71 : i32
    }
    %scan3A_63 = arith.constant 40 : i32
    %barrier3A_64 = arith.constant 0 : index
    tpu.barrier barrier_id(%barrier3A_64)
    %mul3A_65 = arith.constant 640 : i32
    %mul3A_66 = arith.muli %mul3A_65, %arg1 : i32
    %mul3A_67 = arith.constant 640 : i32
    %mul3A_68 = arith.muli %mul3A_67, %arg1 : i32
    "tpu.region"() ({
      %run_scoped3A = tpu.sem_alloc : memref<!tpu.dma_semaphore, #tpu.memory_space<semaphore_mem>>
      %dma_start3A = arith.constant 0 : i32
      %dma_start3A_69 = tpu.memref_slice %arg3[%arg0, %dma_start3A] : memref<2x10240xf32, #tpu.memory_space<hbm>> -> memref<1x10240xf32, #tpu.memory_space<hbm>>
      %dma_start3A_70 = tpu.memref_squeeze %dma_start3A_69 : memref<1x10240xf32, #tpu.memory_space<hbm>> -> memref<10240xf32, #tpu.memory_space<hbm>>
      %dma_start3A_71 = tpu.memref_slice %dma_start3A_70[%mul3A_68] : memref<10240xf32, #tpu.memory_space<hbm>> -> memref<640xf32, #tpu.memory_space<hbm>>
      %dma_start3A_72 = tpu.memref_slice %arg4[%mul3A_66] : memref<10240xf32, #tpu.memory_space<vmem_shared>> -> memref<640xf32, #tpu.memory_space<vmem_shared>>
      tpu.enqueue_dma source(%dma_start3A_72 : memref<640xf32, #tpu.memory_space<vmem_shared>>) target(%dma_start3A_71 : memref<640xf32, #tpu.memory_space<hbm>>) target_semaphore(%run_scoped3A : memref<!tpu.dma_semaphore, #tpu.memory_space<semaphore_mem>>)
      %dma_wait3A = arith.constant 0 : i32
      %dma_wait3A_73 = tpu.memref_slice %arg3[%arg0, %dma_wait3A] : memref<2x10240xf32, #tpu.memory_space<hbm>> -> memref<1x10240xf32, #tpu.memory_space<hbm>>
      %dma_wait3A_74 = tpu.memref_squeeze %dma_wait3A_73 : memref<1x10240xf32, #tpu.memory_space<hbm>> -> memref<10240xf32, #tpu.memory_space<hbm>>
      %dma_wait3A_75 = tpu.memref_slice %dma_wait3A_74[%mul3A_68] : memref<10240xf32, #tpu.memory_space<hbm>> -> memref<640xf32, #tpu.memory_space<hbm>>
      %dma_wait3A_76 = tpu.memref_slice %arg4[%mul3A_66] : memref<10240xf32, #tpu.memory_space<vmem_shared>> -> memref<640xf32, #tpu.memory_space<vmem_shared>>
      tpu.wait_dma2 semaphore(%run_scoped3A : memref<!tpu.dma_semaphore, #tpu.memory_space<semaphore_mem>>) src(%dma_wait3A_76 : memref<640xf32, #tpu.memory_space<vmem_shared>>) dst(%dma_wait3A_75 : memref<640xf32, #tpu.memory_space<hbm>>)
      tpu.yield
    }) : () -> ()
    return
  }
}

#map = affine_map<(d0, d1) -> (0, 0, 0)>
#map1 = affine_map<(d0, d1) -> (0, 0)>
module attributes {stable_mosaic.version = 14 : i64} {
  func.func @_agg_body(%arg0: i32, %arg1: i32, %arg2: memref<2x1280x128xi32, #tpu.memory_space<hbm>>, %arg3: memref<160x16x64xi32, #tpu.memory_space<hbm>>, %arg4: memref<20000x128xf32, #tpu.memory_space<hbm>>, %arg5: memref<2x10240x128xf32, #tpu.memory_space<hbm>>, %arg6: memref<10240x128xf32, #tpu.memory_space<vmem_shared>>, %arg7: memref<80x128xi32, #tpu.memory_space<vmem>>, %arg8: memref<2x16x64xi32, #tpu.memory_space<vmem>>, %arg9: memref<3x64x128xf32, #tpu.memory_space<vmem>>, %arg10: memref<64x128xf32, #tpu.memory_space<vmem>>, %arg11: memref<3x!tpu.dma_semaphore, #tpu.memory_space<semaphore_mem>>, %arg12: memref<3x!tpu.dma_semaphore, #tpu.memory_space<semaphore_mem>>, %arg13: memref<2x!tpu.dma_semaphore, #tpu.memory_space<semaphore_mem>>) attributes {dimension_semantics = [#tpu.dimension_semantics<core_parallel>, #tpu.dimension_semantics<subcore_parallel>], iteration_bounds = array<i64: 2, 16>, scalar_prefetch = 0 : i64, scratch_operands = 8 : i64, tpu.core_type = #tpu.core_type<sc_vector_subcore>, window_params = [{transform_indices = #map}, {transform_indices = #map}, {transform_indices = #map1}, {transform_indices = #map}]} {
    %mul3A = arith.constant 80 : i32
    %mul3A_0 = arith.muli %mul3A, %arg1 : i32
    "tpu.region"() ({
      %run_scoped3A = tpu.sem_alloc : memref<!tpu.dma_semaphore, #tpu.memory_space<semaphore_mem>>
      %dma_start3A_135 = arith.constant 0 : i32
      %dma_start3A_136 = arith.constant 0 : i32
      %dma_start3A_137 = tpu.memref_slice %arg2[%arg0, %dma_start3A_135, %dma_start3A_136] : memref<2x1280x128xi32, #tpu.memory_space<hbm>> -> memref<1x1280x128xi32, #tpu.memory_space<hbm>>
      %dma_start3A_138 = tpu.memref_squeeze %dma_start3A_137 : memref<1x1280x128xi32, #tpu.memory_space<hbm>> -> memref<1280x128xi32, #tpu.memory_space<hbm>>
      %dma_start3A_139 = arith.constant 0 : i32
      %dma_start3A_140 = tpu.memref_slice %dma_start3A_138[%mul3A_0, %dma_start3A_139] : memref<1280x128xi32, #tpu.memory_space<hbm>> -> memref<80x128xi32, #tpu.memory_space<hbm>>
      %dma_start3A_141 = arith.constant 0 : i32
      %dma_start3A_142 = arith.constant 0 : i32
      %dma_start3A_143 = tpu.memref_slice %arg2[%arg0, %dma_start3A_141, %dma_start3A_142] : memref<2x1280x128xi32, #tpu.memory_space<hbm>> -> memref<1x1280x128xi32, #tpu.memory_space<hbm>>
      %dma_start3A_144 = tpu.memref_squeeze %dma_start3A_143 : memref<1x1280x128xi32, #tpu.memory_space<hbm>> -> memref<1280x128xi32, #tpu.memory_space<hbm>>
      %dma_start3A_145 = arith.constant 0 : i32
      %dma_start3A_146 = tpu.memref_slice %dma_start3A_144[%mul3A_0, %dma_start3A_145] : memref<1280x128xi32, #tpu.memory_space<hbm>> -> memref<80x128xi32, #tpu.memory_space<hbm>>
      tpu.enqueue_dma source(%dma_start3A_146 : memref<80x128xi32, #tpu.memory_space<hbm>>) target(%arg7 : memref<80x128xi32, #tpu.memory_space<vmem>>) target_semaphore(%run_scoped3A : memref<!tpu.dma_semaphore, #tpu.memory_space<semaphore_mem>>)
      %dma_wait3A_147 = arith.constant 0 : i32
      %dma_wait3A_148 = arith.constant 0 : i32
      %dma_wait3A_149 = tpu.memref_slice %arg2[%arg0, %dma_wait3A_147, %dma_wait3A_148] : memref<2x1280x128xi32, #tpu.memory_space<hbm>> -> memref<1x1280x128xi32, #tpu.memory_space<hbm>>
      %dma_wait3A_150 = tpu.memref_squeeze %dma_wait3A_149 : memref<1x1280x128xi32, #tpu.memory_space<hbm>> -> memref<1280x128xi32, #tpu.memory_space<hbm>>
      %dma_wait3A_151 = arith.constant 0 : i32
      %dma_wait3A_152 = tpu.memref_slice %dma_wait3A_150[%mul3A_0, %dma_wait3A_151] : memref<1280x128xi32, #tpu.memory_space<hbm>> -> memref<80x128xi32, #tpu.memory_space<hbm>>
      %dma_wait3A_153 = arith.constant 0 : i32
      %dma_wait3A_154 = arith.constant 0 : i32
      %dma_wait3A_155 = tpu.memref_slice %arg2[%arg0, %dma_wait3A_153, %dma_wait3A_154] : memref<2x1280x128xi32, #tpu.memory_space<hbm>> -> memref<1x1280x128xi32, #tpu.memory_space<hbm>>
      %dma_wait3A_156 = tpu.memref_squeeze %dma_wait3A_155 : memref<1x1280x128xi32, #tpu.memory_space<hbm>> -> memref<1280x128xi32, #tpu.memory_space<hbm>>
      %dma_wait3A_157 = arith.constant 0 : i32
      %dma_wait3A_158 = tpu.memref_slice %dma_wait3A_156[%mul3A_0, %dma_wait3A_157] : memref<1280x128xi32, #tpu.memory_space<hbm>> -> memref<80x128xi32, #tpu.memory_space<hbm>>
      tpu.wait_dma2 semaphore(%run_scoped3A : memref<!tpu.dma_semaphore, #tpu.memory_space<semaphore_mem>>) src(%dma_wait3A_158 : memref<80x128xi32, #tpu.memory_space<hbm>>) dst(%arg7 : memref<80x128xi32, #tpu.memory_space<vmem>>)
      tpu.yield
    }) : () -> ()
    %mul3A_1 = arith.constant 10 : i32
    %mul3A_2 = arith.muli %mul3A_1, %arg1 : i32
    "tpu.region"() ({
      %run_scoped3A = tpu.sem_alloc : memref<!tpu.dma_semaphore, #tpu.memory_space<semaphore_mem>>
      %dma_start3A_135 = arith.constant 0 : i32
      %dma_start3A_136 = arith.constant 0 : i32
      %dma_start3A_137 = tpu.memref_slice %arg3[%mul3A_2, %dma_start3A_135, %dma_start3A_136] : memref<160x16x64xi32, #tpu.memory_space<hbm>> -> memref<2x16x64xi32, #tpu.memory_space<hbm>>
      %dma_start3A_138 = arith.constant 0 : i32
      %dma_start3A_139 = arith.constant 0 : i32
      %dma_start3A_140 = tpu.memref_slice %arg3[%mul3A_2, %dma_start3A_138, %dma_start3A_139] : memref<160x16x64xi32, #tpu.memory_space<hbm>> -> memref<2x16x64xi32, #tpu.memory_space<hbm>>
      tpu.enqueue_dma source(%dma_start3A_140 : memref<2x16x64xi32, #tpu.memory_space<hbm>>) target(%arg8 : memref<2x16x64xi32, #tpu.memory_space<vmem>>) target_semaphore(%run_scoped3A : memref<!tpu.dma_semaphore, #tpu.memory_space<semaphore_mem>>)
      %dma_wait3A_141 = arith.constant 0 : i32
      %dma_wait3A_142 = arith.constant 0 : i32
      %dma_wait3A_143 = tpu.memref_slice %arg3[%mul3A_2, %dma_wait3A_141, %dma_wait3A_142] : memref<160x16x64xi32, #tpu.memory_space<hbm>> -> memref<2x16x64xi32, #tpu.memory_space<hbm>>
      %dma_wait3A_144 = arith.constant 0 : i32
      %dma_wait3A_145 = arith.constant 0 : i32
      %dma_wait3A_146 = tpu.memref_slice %arg3[%mul3A_2, %dma_wait3A_144, %dma_wait3A_145] : memref<160x16x64xi32, #tpu.memory_space<hbm>> -> memref<2x16x64xi32, #tpu.memory_space<hbm>>
      tpu.wait_dma2 semaphore(%run_scoped3A : memref<!tpu.dma_semaphore, #tpu.memory_space<semaphore_mem>>) src(%dma_wait3A_146 : memref<2x16x64xi32, #tpu.memory_space<hbm>>) dst(%arg8 : memref<2x16x64xi32, #tpu.memory_space<vmem>>)
      tpu.yield
    }) : () -> ()
    %scan3A = arith.constant 0 : i32
    %scan3A_3 = arith.constant 0 : i32
    %scan3A_4 = arith.constant 512 : i32
    %scan3A_5 = arith.addi %scan3A_3, %scan3A_4 : i32
    %scan3A_6 = arith.constant 1 : i32
    %scan3A_7 = scf.for %scan3A_135 = %scan3A_3 to %scan3A_5 step %scan3A_6 iter_args(%scan3A_136 = %scan3A) -> (i32)  : i32 {
      %jit3A = arith.constant 8 : i32
      %div3A = arith.divsi %scan3A_135, %jit3A : i32
      %sign3A = arith.constant 0 : i32
      %sign3A_137 = arith.cmpi sgt, %scan3A_135, %sign3A : i32
      %sign3A_138 = arith.extui %sign3A_137 : i1 to i32
      %sign3A_139 = arith.constant 0 : i32
      %sign3A_140 = arith.cmpi slt, %scan3A_135, %sign3A_139 : i32
      %sign3A_141 = arith.extui %sign3A_140 : i1 to i32
      %sign3A_142 = arith.subi %sign3A_138, %sign3A_141 : i32
      %sign3A_143 = arith.constant 0 : i32
      %sign3A_144 = arith.cmpi sgt, %jit3A, %sign3A_143 : i32
      %sign3A_145 = arith.extui %sign3A_144 : i1 to i32
      %sign3A_146 = arith.constant 0 : i32
      %sign3A_147 = arith.cmpi slt, %jit3A, %sign3A_146 : i32
      %sign3A_148 = arith.extui %sign3A_147 : i1 to i32
      %sign3A_149 = arith.subi %sign3A_145, %sign3A_148 : i32
      %ne3A = arith.cmpi ne, %sign3A_142, %sign3A_149 : i32
      %rem3A_150 = arith.remsi %scan3A_135, %jit3A : i32
      %ne3A_151 = arith.constant 0 : i32
      %ne3A_152 = arith.cmpi ne, %rem3A_150, %ne3A_151 : i32
      %and3A = arith.andi %ne3A, %ne3A_152 : i1
      %sub3A = arith.constant 1 : i32
      %sub3A_153 = arith.subi %div3A, %sub3A : i32
      %select_n3A = arith.select %and3A, %sub3A_153, %div3A : i32
      %jit3A_154 = arith.constant 8 : i32
      %eq3A = arith.constant 0 : i32
      %eq3A_155 = arith.cmpi eq, %jit3A_154, %eq3A : i32
      %jit3A_156 = arith.constant 1 : i32
      %select_n3A_157 = arith.select %eq3A_155, %jit3A_156, %jit3A_154 : i32
      %rem3A_158 = arith.remsi %scan3A_135, %select_n3A_157 : i32
      %ne3A_159 = arith.constant 0 : i32
      %ne3A_160 = arith.cmpi ne, %rem3A_158, %ne3A_159 : i32
      %lt3A = arith.constant 0 : i32
      %lt3A_161 = arith.cmpi slt, %rem3A_158, %lt3A : i32
      %lt3A_162 = arith.constant 0 : i32
      %lt3A_163 = arith.cmpi slt, %select_n3A_157, %lt3A_162 : i32
      %ne3A_164 = arith.xori %lt3A_161, %lt3A_163 : i1
      %and3A_165 = arith.andi %ne3A_164, %ne3A_160 : i1
      %add3A_166 = arith.addi %rem3A_158, %select_n3A_157 : i32
      %select_n3A_167 = arith.select %and3A_165, %add3A_166, %rem3A_158 : i32
      %broadcast_in_dim3A = arith.constant 0.000000e+00 : f32
      %broadcast_in_dim3A_168 = vector.broadcast %broadcast_in_dim3A : f32 to vector<16xf32>
      %mul3A_169 = arith.constant 16 : i32
      %mul3A_170 = arith.muli %mul3A_169, %select_n3A_167 : i32
      %multiple_of3A_171 = tpu.assume_multiple %mul3A_170, 16 : i32
      %swap3A = arith.index_cast %select_n3A : i32 to index
      %swap3A_172 = arith.index_cast %multiple_of3A_171 : i32 to index
      %swap3A_173 = tpu.vector_load %arg10[%swap3A, %swap3A_172] {strides = array<i32>} : memref<64x128xf32, #tpu.memory_space<vmem>>, vector<1x16xf32>,
      %swap3A_174 = vector.shape_cast %swap3A_173 : vector<1x16xf32> to vector<16xf32>
      %swap3A_175 = vector.shape_cast %broadcast_in_dim3A_168 : vector<16xf32> to vector<1x16xf32>
      tpu.vector_store %arg10[%swap3A, %swap3A_172], %swap3A_175 {strides = array<i32>} : memref<64x128xf32, #tpu.memory_space<vmem>>, vector<1x16xf32>,
      %scan3A_176 = arith.constant 0 : i32
      scf.yield %scan3A_176 : i32
    }
    %scan3A_8 = arith.constant 512 : i32
    %mul3A_9 = arith.constant 640 : i32
    %mul3A_10 = arith.muli %mul3A_9, %arg1 : i32
    %add3A = arith.constant 0 : i32
    %add3A_11 = arith.addi %mul3A_10, %add3A : i32
    "tpu.region"() ({
      %run_scoped3A = tpu.sem_alloc : memref<!tpu.dma_semaphore, #tpu.memory_space<semaphore_mem>>
      %dma_start3A_135 = arith.constant 0 : i32
      %dma_start3A_136 = tpu.memref_slice %arg6[%add3A_11, %dma_start3A_135] : memref<10240x128xf32, #tpu.memory_space<vmem_shared>> -> memref<64x128xf32, #tpu.memory_space<vmem_shared>>
      %dma_start3A_137 = arith.constant 0 : i32
      %dma_start3A_138 = tpu.memref_slice %arg6[%add3A_11, %dma_start3A_137] : memref<10240x128xf32, #tpu.memory_space<vmem_shared>> -> memref<64x128xf32, #tpu.memory_space<vmem_shared>>
      tpu.enqueue_dma source(%arg10 : memref<64x128xf32, #tpu.memory_space<vmem>>) target(%dma_start3A_138 : memref<64x128xf32, #tpu.memory_space<vmem_shared>>) target_semaphore(%run_scoped3A : memref<!tpu.dma_semaphore, #tpu.memory_space<semaphore_mem>>)
      %dma_wait3A_139 = arith.constant 0 : i32
      %dma_wait3A_140 = tpu.memref_slice %arg6[%add3A_11, %dma_wait3A_139] : memref<10240x128xf32, #tpu.memory_space<vmem_shared>> -> memref<64x128xf32, #tpu.memory_space<vmem_shared>>
      %dma_wait3A_141 = arith.constant 0 : i32
      %dma_wait3A_142 = tpu.memref_slice %arg6[%add3A_11, %dma_wait3A_141] : memref<10240x128xf32, #tpu.memory_space<vmem_shared>> -> memref<64x128xf32, #tpu.memory_space<vmem_shared>>
      tpu.wait_dma2 semaphore(%run_scoped3A : memref<!tpu.dma_semaphore, #tpu.memory_space<semaphore_mem>>) src(%arg10 : memref<64x128xf32, #tpu.memory_space<vmem>>) dst(%dma_wait3A_142 : memref<64x128xf32, #tpu.memory_space<vmem_shared>>)
      tpu.yield
    }) : () -> ()
    %mul3A_12 = arith.constant 640 : i32
    %mul3A_13 = arith.muli %mul3A_12, %arg1 : i32
    %add3A_14 = arith.constant 64 : i32
    %add3A_15 = arith.addi %mul3A_13, %add3A_14 : i32
    "tpu.region"() ({
      %run_scoped3A = tpu.sem_alloc : memref<!tpu.dma_semaphore, #tpu.memory_space<semaphore_mem>>
      %dma_start3A_135 = arith.constant 0 : i32
      %dma_start3A_136 = tpu.memref_slice %arg6[%add3A_15, %dma_start3A_135] : memref<10240x128xf32, #tpu.memory_space<vmem_shared>> -> memref<64x128xf32, #tpu.memory_space<vmem_shared>>
      %dma_start3A_137 = arith.constant 0 : i32
      %dma_start3A_138 = tpu.memref_slice %arg6[%add3A_15, %dma_start3A_137] : memref<10240x128xf32, #tpu.memory_space<vmem_shared>> -> memref<64x128xf32, #tpu.memory_space<vmem_shared>>
      tpu.enqueue_dma source(%arg10 : memref<64x128xf32, #tpu.memory_space<vmem>>) target(%dma_start3A_138 : memref<64x128xf32, #tpu.memory_space<vmem_shared>>) target_semaphore(%run_scoped3A : memref<!tpu.dma_semaphore, #tpu.memory_space<semaphore_mem>>)
      %dma_wait3A_139 = arith.constant 0 : i32
      %dma_wait3A_140 = tpu.memref_slice %arg6[%add3A_15, %dma_wait3A_139] : memref<10240x128xf32, #tpu.memory_space<vmem_shared>> -> memref<64x128xf32, #tpu.memory_space<vmem_shared>>
      %dma_wait3A_141 = arith.constant 0 : i32
      %dma_wait3A_142 = tpu.memref_slice %arg6[%add3A_15, %dma_wait3A_141] : memref<10240x128xf32, #tpu.memory_space<vmem_shared>> -> memref<64x128xf32, #tpu.memory_space<vmem_shared>>
      tpu.wait_dma2 semaphore(%run_scoped3A : memref<!tpu.dma_semaphore, #tpu.memory_space<semaphore_mem>>) src(%arg10 : memref<64x128xf32, #tpu.memory_space<vmem>>) dst(%dma_wait3A_142 : memref<64x128xf32, #tpu.memory_space<vmem_shared>>)
      tpu.yield
    }) : () -> ()
    %mul3A_16 = arith.constant 640 : i32
    %mul3A_17 = arith.muli %mul3A_16, %arg1 : i32
    %add3A_18 = arith.constant 128 : i32
    %add3A_19 = arith.addi %mul3A_17, %add3A_18 : i32
    "tpu.region"() ({
      %run_scoped3A = tpu.sem_alloc : memref<!tpu.dma_semaphore, #tpu.memory_space<semaphore_mem>>
      %dma_start3A_135 = arith.constant 0 : i32
      %dma_start3A_136 = tpu.memref_slice %arg6[%add3A_19, %dma_start3A_135] : memref<10240x128xf32, #tpu.memory_space<vmem_shared>> -> memref<64x128xf32, #tpu.memory_space<vmem_shared>>
      %dma_start3A_137 = arith.constant 0 : i32
      %dma_start3A_138 = tpu.memref_slice %arg6[%add3A_19, %dma_start3A_137] : memref<10240x128xf32, #tpu.memory_space<vmem_shared>> -> memref<64x128xf32, #tpu.memory_space<vmem_shared>>
      tpu.enqueue_dma source(%arg10 : memref<64x128xf32, #tpu.memory_space<vmem>>) target(%dma_start3A_138 : memref<64x128xf32, #tpu.memory_space<vmem_shared>>) target_semaphore(%run_scoped3A : memref<!tpu.dma_semaphore, #tpu.memory_space<semaphore_mem>>)
      %dma_wait3A_139 = arith.constant 0 : i32
      %dma_wait3A_140 = tpu.memref_slice %arg6[%add3A_19, %dma_wait3A_139] : memref<10240x128xf32, #tpu.memory_space<vmem_shared>> -> memref<64x128xf32, #tpu.memory_space<vmem_shared>>
      %dma_wait3A_141 = arith.constant 0 : i32
      %dma_wait3A_142 = tpu.memref_slice %arg6[%add3A_19, %dma_wait3A_141] : memref<10240x128xf32, #tpu.memory_space<vmem_shared>> -> memref<64x128xf32, #tpu.memory_space<vmem_shared>>
      tpu.wait_dma2 semaphore(%run_scoped3A : memref<!tpu.dma_semaphore, #tpu.memory_space<semaphore_mem>>) src(%arg10 : memref<64x128xf32, #tpu.memory_space<vmem>>) dst(%dma_wait3A_142 : memref<64x128xf32, #tpu.memory_space<vmem_shared>>)
      tpu.yield
    }) : () -> ()
    %mul3A_20 = arith.constant 640 : i32
    %mul3A_21 = arith.muli %mul3A_20, %arg1 : i32
    %add3A_22 = arith.constant 192 : i32
    %add3A_23 = arith.addi %mul3A_21, %add3A_22 : i32
    "tpu.region"() ({
      %run_scoped3A = tpu.sem_alloc : memref<!tpu.dma_semaphore, #tpu.memory_space<semaphore_mem>>
      %dma_start3A_135 = arith.constant 0 : i32
      %dma_start3A_136 = tpu.memref_slice %arg6[%add3A_23, %dma_start3A_135] : memref<10240x128xf32, #tpu.memory_space<vmem_shared>> -> memref<64x128xf32, #tpu.memory_space<vmem_shared>>
      %dma_start3A_137 = arith.constant 0 : i32
      %dma_start3A_138 = tpu.memref_slice %arg6[%add3A_23, %dma_start3A_137] : memref<10240x128xf32, #tpu.memory_space<vmem_shared>> -> memref<64x128xf32, #tpu.memory_space<vmem_shared>>
      tpu.enqueue_dma source(%arg10 : memref<64x128xf32, #tpu.memory_space<vmem>>) target(%dma_start3A_138 : memref<64x128xf32, #tpu.memory_space<vmem_shared>>) target_semaphore(%run_scoped3A : memref<!tpu.dma_semaphore, #tpu.memory_space<semaphore_mem>>)
      %dma_wait3A_139 = arith.constant 0 : i32
      %dma_wait3A_140 = tpu.memref_slice %arg6[%add3A_23, %dma_wait3A_139] : memref<10240x128xf32, #tpu.memory_space<vmem_shared>> -> memref<64x128xf32, #tpu.memory_space<vmem_shared>>
      %dma_wait3A_141 = arith.constant 0 : i32
      %dma_wait3A_142 = tpu.memref_slice %arg6[%add3A_23, %dma_wait3A_141] : memref<10240x128xf32, #tpu.memory_space<vmem_shared>> -> memref<64x128xf32, #tpu.memory_space<vmem_shared>>
      tpu.wait_dma2 semaphore(%run_scoped3A : memref<!tpu.dma_semaphore, #tpu.memory_space<semaphore_mem>>) src(%arg10 : memref<64x128xf32, #tpu.memory_space<vmem>>) dst(%dma_wait3A_142 : memref<64x128xf32, #tpu.memory_space<vmem_shared>>)
      tpu.yield
    }) : () -> ()
    %mul3A_24 = arith.constant 640 : i32
    %mul3A_25 = arith.muli %mul3A_24, %arg1 : i32
    %add3A_26 = arith.constant 256 : i32
    %add3A_27 = arith.addi %mul3A_25, %add3A_26 : i32
    "tpu.region"() ({
      %run_scoped3A = tpu.sem_alloc : memref<!tpu.dma_semaphore, #tpu.memory_space<semaphore_mem>>
      %dma_start3A_135 = arith.constant 0 : i32
      %dma_start3A_136 = tpu.memref_slice %arg6[%add3A_27, %dma_start3A_135] : memref<10240x128xf32, #tpu.memory_space<vmem_shared>> -> memref<64x128xf32, #tpu.memory_space<vmem_shared>>
      %dma_start3A_137 = arith.constant 0 : i32
      %dma_start3A_138 = tpu.memref_slice %arg6[%add3A_27, %dma_start3A_137] : memref<10240x128xf32, #tpu.memory_space<vmem_shared>> -> memref<64x128xf32, #tpu.memory_space<vmem_shared>>
      tpu.enqueue_dma source(%arg10 : memref<64x128xf32, #tpu.memory_space<vmem>>) target(%dma_start3A_138 : memref<64x128xf32, #tpu.memory_space<vmem_shared>>) target_semaphore(%run_scoped3A : memref<!tpu.dma_semaphore, #tpu.memory_space<semaphore_mem>>)
      %dma_wait3A_139 = arith.constant 0 : i32
      %dma_wait3A_140 = tpu.memref_slice %arg6[%add3A_27, %dma_wait3A_139] : memref<10240x128xf32, #tpu.memory_space<vmem_shared>> -> memref<64x128xf32, #tpu.memory_space<vmem_shared>>
      %dma_wait3A_141 = arith.constant 0 : i32
      %dma_wait3A_142 = tpu.memref_slice %arg6[%add3A_27, %dma_wait3A_141] : memref<10240x128xf32, #tpu.memory_space<vmem_shared>> -> memref<64x128xf32, #tpu.memory_space<vmem_shared>>
      tpu.wait_dma2 semaphore(%run_scoped3A : memref<!tpu.dma_semaphore, #tpu.memory_space<semaphore_mem>>) src(%arg10 : memref<64x128xf32, #tpu.memory_space<vmem>>) dst(%dma_wait3A_142 : memref<64x128xf32, #tpu.memory_space<vmem_shared>>)
      tpu.yield
    }) : () -> ()
    %mul3A_28 = arith.constant 640 : i32
    %mul3A_29 = arith.muli %mul3A_28, %arg1 : i32
    %add3A_30 = arith.constant 320 : i32
    %add3A_31 = arith.addi %mul3A_29, %add3A_30 : i32
    "tpu.region"() ({
      %run_scoped3A = tpu.sem_alloc : memref<!tpu.dma_semaphore, #tpu.memory_space<semaphore_mem>>
      %dma_start3A_135 = arith.constant 0 : i32
      %dma_start3A_136 = tpu.memref_slice %arg6[%add3A_31, %dma_start3A_135] : memref<10240x128xf32, #tpu.memory_space<vmem_shared>> -> memref<64x128xf32, #tpu.memory_space<vmem_shared>>
      %dma_start3A_137 = arith.constant 0 : i32
      %dma_start3A_138 = tpu.memref_slice %arg6[%add3A_31, %dma_start3A_137] : memref<10240x128xf32, #tpu.memory_space<vmem_shared>> -> memref<64x128xf32, #tpu.memory_space<vmem_shared>>
      tpu.enqueue_dma source(%arg10 : memref<64x128xf32, #tpu.memory_space<vmem>>) target(%dma_start3A_138 : memref<64x128xf32, #tpu.memory_space<vmem_shared>>) target_semaphore(%run_scoped3A : memref<!tpu.dma_semaphore, #tpu.memory_space<semaphore_mem>>)
      %dma_wait3A_139 = arith.constant 0 : i32
      %dma_wait3A_140 = tpu.memref_slice %arg6[%add3A_31, %dma_wait3A_139] : memref<10240x128xf32, #tpu.memory_space<vmem_shared>> -> memref<64x128xf32, #tpu.memory_space<vmem_shared>>
      %dma_wait3A_141 = arith.constant 0 : i32
      %dma_wait3A_142 = tpu.memref_slice %arg6[%add3A_31, %dma_wait3A_141] : memref<10240x128xf32, #tpu.memory_space<vmem_shared>> -> memref<64x128xf32, #tpu.memory_space<vmem_shared>>
      tpu.wait_dma2 semaphore(%run_scoped3A : memref<!tpu.dma_semaphore, #tpu.memory_space<semaphore_mem>>) src(%arg10 : memref<64x128xf32, #tpu.memory_space<vmem>>) dst(%dma_wait3A_142 : memref<64x128xf32, #tpu.memory_space<vmem_shared>>)
      tpu.yield
    }) : () -> ()
    %mul3A_32 = arith.constant 640 : i32
    %mul3A_33 = arith.muli %mul3A_32, %arg1 : i32
    %add3A_34 = arith.constant 384 : i32
    %add3A_35 = arith.addi %mul3A_33, %add3A_34 : i32
    "tpu.region"() ({
      %run_scoped3A = tpu.sem_alloc : memref<!tpu.dma_semaphore, #tpu.memory_space<semaphore_mem>>
      %dma_start3A_135 = arith.constant 0 : i32
      %dma_start3A_136 = tpu.memref_slice %arg6[%add3A_35, %dma_start3A_135] : memref<10240x128xf32, #tpu.memory_space<vmem_shared>> -> memref<64x128xf32, #tpu.memory_space<vmem_shared>>
      %dma_start3A_137 = arith.constant 0 : i32
      %dma_start3A_138 = tpu.memref_slice %arg6[%add3A_35, %dma_start3A_137] : memref<10240x128xf32, #tpu.memory_space<vmem_shared>> -> memref<64x128xf32, #tpu.memory_space<vmem_shared>>
      tpu.enqueue_dma source(%arg10 : memref<64x128xf32, #tpu.memory_space<vmem>>) target(%dma_start3A_138 : memref<64x128xf32, #tpu.memory_space<vmem_shared>>) target_semaphore(%run_scoped3A : memref<!tpu.dma_semaphore, #tpu.memory_space<semaphore_mem>>)
      %dma_wait3A_139 = arith.constant 0 : i32
      %dma_wait3A_140 = tpu.memref_slice %arg6[%add3A_35, %dma_wait3A_139] : memref<10240x128xf32, #tpu.memory_space<vmem_shared>> -> memref<64x128xf32, #tpu.memory_space<vmem_shared>>
      %dma_wait3A_141 = arith.constant 0 : i32
      %dma_wait3A_142 = tpu.memref_slice %arg6[%add3A_35, %dma_wait3A_141] : memref<10240x128xf32, #tpu.memory_space<vmem_shared>> -> memref<64x128xf32, #tpu.memory_space<vmem_shared>>
      tpu.wait_dma2 semaphore(%run_scoped3A : memref<!tpu.dma_semaphore, #tpu.memory_space<semaphore_mem>>) src(%arg10 : memref<64x128xf32, #tpu.memory_space<vmem>>) dst(%dma_wait3A_142 : memref<64x128xf32, #tpu.memory_space<vmem_shared>>)
      tpu.yield
    }) : () -> ()
    %mul3A_36 = arith.constant 640 : i32
    %mul3A_37 = arith.muli %mul3A_36, %arg1 : i32
    %add3A_38 = arith.constant 448 : i32
    %add3A_39 = arith.addi %mul3A_37, %add3A_38 : i32
    "tpu.region"() ({
      %run_scoped3A = tpu.sem_alloc : memref<!tpu.dma_semaphore, #tpu.memory_space<semaphore_mem>>
      %dma_start3A_135 = arith.constant 0 : i32
      %dma_start3A_136 = tpu.memref_slice %arg6[%add3A_39, %dma_start3A_135] : memref<10240x128xf32, #tpu.memory_space<vmem_shared>> -> memref<64x128xf32, #tpu.memory_space<vmem_shared>>
      %dma_start3A_137 = arith.constant 0 : i32
      %dma_start3A_138 = tpu.memref_slice %arg6[%add3A_39, %dma_start3A_137] : memref<10240x128xf32, #tpu.memory_space<vmem_shared>> -> memref<64x128xf32, #tpu.memory_space<vmem_shared>>
      tpu.enqueue_dma source(%arg10 : memref<64x128xf32, #tpu.memory_space<vmem>>) target(%dma_start3A_138 : memref<64x128xf32, #tpu.memory_space<vmem_shared>>) target_semaphore(%run_scoped3A : memref<!tpu.dma_semaphore, #tpu.memory_space<semaphore_mem>>)
      %dma_wait3A_139 = arith.constant 0 : i32
      %dma_wait3A_140 = tpu.memref_slice %arg6[%add3A_39, %dma_wait3A_139] : memref<10240x128xf32, #tpu.memory_space<vmem_shared>> -> memref<64x128xf32, #tpu.memory_space<vmem_shared>>
      %dma_wait3A_141 = arith.constant 0 : i32
      %dma_wait3A_142 = tpu.memref_slice %arg6[%add3A_39, %dma_wait3A_141] : memref<10240x128xf32, #tpu.memory_space<vmem_shared>> -> memref<64x128xf32, #tpu.memory_space<vmem_shared>>
      tpu.wait_dma2 semaphore(%run_scoped3A : memref<!tpu.dma_semaphore, #tpu.memory_space<semaphore_mem>>) src(%arg10 : memref<64x128xf32, #tpu.memory_space<vmem>>) dst(%dma_wait3A_142 : memref<64x128xf32, #tpu.memory_space<vmem_shared>>)
      tpu.yield
    }) : () -> ()
    %mul3A_40 = arith.constant 640 : i32
    %mul3A_41 = arith.muli %mul3A_40, %arg1 : i32
    %add3A_42 = arith.constant 512 : i32
    %add3A_43 = arith.addi %mul3A_41, %add3A_42 : i32
    "tpu.region"() ({
      %run_scoped3A = tpu.sem_alloc : memref<!tpu.dma_semaphore, #tpu.memory_space<semaphore_mem>>
      %dma_start3A_135 = arith.constant 0 : i32
      %dma_start3A_136 = tpu.memref_slice %arg6[%add3A_43, %dma_start3A_135] : memref<10240x128xf32, #tpu.memory_space<vmem_shared>> -> memref<64x128xf32, #tpu.memory_space<vmem_shared>>
      %dma_start3A_137 = arith.constant 0 : i32
      %dma_start3A_138 = tpu.memref_slice %arg6[%add3A_43, %dma_start3A_137] : memref<10240x128xf32, #tpu.memory_space<vmem_shared>> -> memref<64x128xf32, #tpu.memory_space<vmem_shared>>
      tpu.enqueue_dma source(%arg10 : memref<64x128xf32, #tpu.memory_space<vmem>>) target(%dma_start3A_138 : memref<64x128xf32, #tpu.memory_space<vmem_shared>>) target_semaphore(%run_scoped3A : memref<!tpu.dma_semaphore, #tpu.memory_space<semaphore_mem>>)
      %dma_wait3A_139 = arith.constant 0 : i32
      %dma_wait3A_140 = tpu.memref_slice %arg6[%add3A_43, %dma_wait3A_139] : memref<10240x128xf32, #tpu.memory_space<vmem_shared>> -> memref<64x128xf32, #tpu.memory_space<vmem_shared>>
      %dma_wait3A_141 = arith.constant 0 : i32
      %dma_wait3A_142 = tpu.memref_slice %arg6[%add3A_43, %dma_wait3A_141] : memref<10240x128xf32, #tpu.memory_space<vmem_shared>> -> memref<64x128xf32, #tpu.memory_space<vmem_shared>>
      tpu.wait_dma2 semaphore(%run_scoped3A : memref<!tpu.dma_semaphore, #tpu.memory_space<semaphore_mem>>) src(%arg10 : memref<64x128xf32, #tpu.memory_space<vmem>>) dst(%dma_wait3A_142 : memref<64x128xf32, #tpu.memory_space<vmem_shared>>)
      tpu.yield
    }) : () -> ()
    %mul3A_44 = arith.constant 640 : i32
    %mul3A_45 = arith.muli %mul3A_44, %arg1 : i32
    %add3A_46 = arith.constant 576 : i32
    %add3A_47 = arith.addi %mul3A_45, %add3A_46 : i32
    "tpu.region"() ({
      %run_scoped3A = tpu.sem_alloc : memref<!tpu.dma_semaphore, #tpu.memory_space<semaphore_mem>>
      %dma_start3A_135 = arith.constant 0 : i32
      %dma_start3A_136 = tpu.memref_slice %arg6[%add3A_47, %dma_start3A_135] : memref<10240x128xf32, #tpu.memory_space<vmem_shared>> -> memref<64x128xf32, #tpu.memory_space<vmem_shared>>
      %dma_start3A_137 = arith.constant 0 : i32
      %dma_start3A_138 = tpu.memref_slice %arg6[%add3A_47, %dma_start3A_137] : memref<10240x128xf32, #tpu.memory_space<vmem_shared>> -> memref<64x128xf32, #tpu.memory_space<vmem_shared>>
      tpu.enqueue_dma source(%arg10 : memref<64x128xf32, #tpu.memory_space<vmem>>) target(%dma_start3A_138 : memref<64x128xf32, #tpu.memory_space<vmem_shared>>) target_semaphore(%run_scoped3A : memref<!tpu.dma_semaphore, #tpu.memory_space<semaphore_mem>>)
      %dma_wait3A_139 = arith.constant 0 : i32
      %dma_wait3A_140 = tpu.memref_slice %arg6[%add3A_47, %dma_wait3A_139] : memref<10240x128xf32, #tpu.memory_space<vmem_shared>> -> memref<64x128xf32, #tpu.memory_space<vmem_shared>>
      %dma_wait3A_141 = arith.constant 0 : i32
      %dma_wait3A_142 = tpu.memref_slice %arg6[%add3A_47, %dma_wait3A_141] : memref<10240x128xf32, #tpu.memory_space<vmem_shared>> -> memref<64x128xf32, #tpu.memory_space<vmem_shared>>
      tpu.wait_dma2 semaphore(%run_scoped3A : memref<!tpu.dma_semaphore, #tpu.memory_space<semaphore_mem>>) src(%arg10 : memref<64x128xf32, #tpu.memory_space<vmem>>) dst(%dma_wait3A_142 : memref<64x128xf32, #tpu.memory_space<vmem_shared>>)
      tpu.yield
    }) : () -> ()
    %barrier3A = arith.constant 0 : index
    tpu.barrier barrier_id(%barrier3A)
    %multiple_of3A = arith.constant 0 : i32
    %multiple_of3A_48 = tpu.assume_multiple %multiple_of3A, 64 : i32
    %dma_start3A = arith.constant 0 : i32
    %dma_start3A_49 = arith.constant 0 : i32
    %dma_start3A_50 = arith.constant 0 : i32
    %dma_start3A_51 = arith.constant 0 : i32
    %dma_start3A_52 = arith.constant 0 : i32
    %dma_start3A_53 = tpu.memref_slice %arg9[%dma_start3A_49, %dma_start3A_51, %dma_start3A_52] : memref<3x64x128xf32, #tpu.memory_space<vmem>> -> memref<1x64x128xf32, #tpu.memory_space<vmem>>
    %dma_start3A_54 = tpu.memref_squeeze %dma_start3A_53 : memref<1x64x128xf32, #tpu.memory_space<vmem>> -> memref<64x128xf32, #tpu.memory_space<vmem>>
    %dma_start3A_55 = arith.constant 0 : i32
    %dma_start3A_56 = tpu.memref_slice %arg7[%dma_start3A, %dma_start3A_55] : memref<80x128xi32, #tpu.memory_space<vmem>> -> memref<1x128xi32, #tpu.memory_space<vmem>>
    %dma_start3A_57 = tpu.memref_squeeze %dma_start3A_56 : memref<1x128xi32, #tpu.memory_space<vmem>> -> memref<128xi32, #tpu.memory_space<vmem>>
    %dma_start3A_58 = tpu.memref_slice %dma_start3A_57[%multiple_of3A_48] : memref<128xi32, #tpu.memory_space<vmem>> -> memref<64xi32, #tpu.memory_space<vmem>>
    %dma_start3A_59 = arith.constant 0 : i32
    %dma_start3A_60 = arith.constant 0 : i32
    %dma_start3A_61 = tpu.memref_slice %arg4[%dma_start3A_59, %dma_start3A_60] : memref<20000x128xf32, #tpu.memory_space<hbm>> -> memref<20000x128xf32, #tpu.memory_space<hbm>>
    %dma_start3A_62 = tpu.memref_slice %arg11[%dma_start3A_50] : memref<3x!tpu.dma_semaphore, #tpu.memory_space<semaphore_mem>> -> memref<1x!tpu.dma_semaphore, #tpu.memory_space<semaphore_mem>>
    %dma_start3A_63 = tpu.memref_squeeze %dma_start3A_62 : memref<1x!tpu.dma_semaphore, #tpu.memory_space<semaphore_mem>> -> memref<!tpu.dma_semaphore, #tpu.memory_space<semaphore_mem>>
    tpu.enqueue_indirect_dma source(%dma_start3A_61 : memref<20000x128xf32, #tpu.memory_space<hbm>>) target(%dma_start3A_54 : memref<64x128xf32, #tpu.memory_space<vmem>>) offsets(%dma_start3A_58 : memref<64xi32, #tpu.memory_space<vmem>>) semaphore(%dma_start3A_63 : memref<!tpu.dma_semaphore, #tpu.memory_space<semaphore_mem>>)
    %multiple_of3A_64 = arith.constant 64 : i32
    %multiple_of3A_65 = tpu.assume_multiple %multiple_of3A_64, 64 : i32
    %dma_start3A_66 = arith.constant 0 : i32
    %dma_start3A_67 = arith.constant 1 : i32
    %dma_start3A_68 = arith.constant 1 : i32
    %dma_start3A_69 = arith.constant 0 : i32
    %dma_start3A_70 = arith.constant 0 : i32
    %dma_start3A_71 = tpu.memref_slice %arg9[%dma_start3A_67, %dma_start3A_69, %dma_start3A_70] : memref<3x64x128xf32, #tpu.memory_space<vmem>> -> memref<1x64x128xf32, #tpu.memory_space<vmem>>
    %dma_start3A_72 = tpu.memref_squeeze %dma_start3A_71 : memref<1x64x128xf32, #tpu.memory_space<vmem>> -> memref<64x128xf32, #tpu.memory_space<vmem>>
    %dma_start3A_73 = arith.constant 0 : i32
    %dma_start3A_74 = tpu.memref_slice %arg7[%dma_start3A_66, %dma_start3A_73] : memref<80x128xi32, #tpu.memory_space<vmem>> -> memref<1x128xi32, #tpu.memory_space<vmem>>
    %dma_start3A_75 = tpu.memref_squeeze %dma_start3A_74 : memref<1x128xi32, #tpu.memory_space<vmem>> -> memref<128xi32, #tpu.memory_space<vmem>>
    %dma_start3A_76 = tpu.memref_slice %dma_start3A_75[%multiple_of3A_65] : memref<128xi32, #tpu.memory_space<vmem>> -> memref<64xi32, #tpu.memory_space<vmem>>
    %dma_start3A_77 = arith.constant 0 : i32
    %dma_start3A_78 = arith.constant 0 : i32
    %dma_start3A_79 = tpu.memref_slice %arg4[%dma_start3A_77, %dma_start3A_78] : memref<20000x128xf32, #tpu.memory_space<hbm>> -> memref<20000x128xf32, #tpu.memory_space<hbm>>
    %dma_start3A_80 = tpu.memref_slice %arg11[%dma_start3A_68] : memref<3x!tpu.dma_semaphore, #tpu.memory_space<semaphore_mem>> -> memref<1x!tpu.dma_semaphore, #tpu.memory_space<semaphore_mem>>
    %dma_start3A_81 = tpu.memref_squeeze %dma_start3A_80 : memref<1x!tpu.dma_semaphore, #tpu.memory_space<semaphore_mem>> -> memref<!tpu.dma_semaphore, #tpu.memory_space<semaphore_mem>>
    tpu.enqueue_indirect_dma source(%dma_start3A_79 : memref<20000x128xf32, #tpu.memory_space<hbm>>) target(%dma_start3A_72 : memref<64x128xf32, #tpu.memory_space<vmem>>) offsets(%dma_start3A_76 : memref<64xi32, #tpu.memory_space<vmem>>) semaphore(%dma_start3A_81 : memref<!tpu.dma_semaphore, #tpu.memory_space<semaphore_mem>>)
    %multiple_of3A_82 = arith.constant 0 : i32
    %multiple_of3A_83 = tpu.assume_multiple %multiple_of3A_82, 64 : i32
    %dma_start3A_84 = arith.constant 1 : i32
    %dma_start3A_85 = arith.constant 2 : i32
    %dma_start3A_86 = arith.constant 2 : i32
    %dma_start3A_87 = arith.constant 0 : i32
    %dma_start3A_88 = arith.constant 0 : i32
    %dma_start3A_89 = tpu.memref_slice %arg9[%dma_start3A_85, %dma_start3A_87, %dma_start3A_88] : memref<3x64x128xf32, #tpu.memory_space<vmem>> -> memref<1x64x128xf32, #tpu.memory_space<vmem>>
    %dma_start3A_90 = tpu.memref_squeeze %dma_start3A_89 : memref<1x64x128xf32, #tpu.memory_space<vmem>> -> memref<64x128xf32, #tpu.memory_space<vmem>>
    %dma_start3A_91 = arith.constant 0 : i32
    %dma_start3A_92 = tpu.memref_slice %arg7[%dma_start3A_84, %dma_start3A_91] : memref<80x128xi32, #tpu.memory_space<vmem>> -> memref<1x128xi32, #tpu.memory_space<vmem>>
    %dma_start3A_93 = tpu.memref_squeeze %dma_start3A_92 : memref<1x128xi32, #tpu.memory_space<vmem>> -> memref<128xi32, #tpu.memory_space<vmem>>
    %dma_start3A_94 = tpu.memref_slice %dma_start3A_93[%multiple_of3A_83] : memref<128xi32, #tpu.memory_space<vmem>> -> memref<64xi32, #tpu.memory_space<vmem>>
    %dma_start3A_95 = arith.constant 0 : i32
    %dma_start3A_96 = arith.constant 0 : i32
    %dma_start3A_97 = tpu.memref_slice %arg4[%dma_start3A_95, %dma_start3A_96] : memref<20000x128xf32, #tpu.memory_space<hbm>> -> memref<20000x128xf32, #tpu.memory_space<hbm>>
    %dma_start3A_98 = tpu.memref_slice %arg11[%dma_start3A_86] : memref<3x!tpu.dma_semaphore, #tpu.memory_space<semaphore_mem>> -> memref<1x!tpu.dma_semaphore, #tpu.memory_space<semaphore_mem>>
    %dma_start3A_99 = tpu.memref_squeeze %dma_start3A_98 : memref<1x!tpu.dma_semaphore, #tpu.memory_space<semaphore_mem>> -> memref<!tpu.dma_semaphore, #tpu.memory_space<semaphore_mem>>
    tpu.enqueue_indirect_dma source(%dma_start3A_97 : memref<20000x128xf32, #tpu.memory_space<hbm>>) target(%dma_start3A_90 : memref<64x128xf32, #tpu.memory_space<vmem>>) offsets(%dma_start3A_94 : memref<64xi32, #tpu.memory_space<vmem>>) semaphore(%dma_start3A_99 : memref<!tpu.dma_semaphore, #tpu.memory_space<semaphore_mem>>)
    %scan3A_100 = arith.constant 0 : i32
    %scan3A_101 = arith.constant 0 : i32
    %scan3A_102 = arith.constant 160 : i32
    %scan3A_103 = arith.addi %scan3A_101, %scan3A_102 : i32
    %scan3A_104 = arith.constant 1 : i32
    %scan3A_105 = scf.for %scan3A_135 = %scan3A_101 to %scan3A_103 step %scan3A_104 iter_args(%scan3A_136 = %scan3A_100) -> (i32)  : i32 {
      %rem3A_137 = arith.constant 3 : i32
      %rem3A_138 = arith.remsi %scan3A_135, %rem3A_137 : i32
      %jit3A = arith.constant 2 : i32
      %div3A = arith.divsi %scan3A_135, %jit3A : i32
      %sign3A = arith.constant 0 : i32
      %sign3A_139 = arith.cmpi sgt, %scan3A_135, %sign3A : i32
      %sign3A_140 = arith.extui %sign3A_139 : i1 to i32
      %sign3A_141 = arith.constant 0 : i32
      %sign3A_142 = arith.cmpi slt, %scan3A_135, %sign3A_141 : i32
      %sign3A_143 = arith.extui %sign3A_142 : i1 to i32
      %sign3A_144 = arith.subi %sign3A_140, %sign3A_143 : i32
      %sign3A_145 = arith.constant 0 : i32
      %sign3A_146 = arith.cmpi sgt, %jit3A, %sign3A_145 : i32
      %sign3A_147 = arith.extui %sign3A_146 : i1 to i32
      %sign3A_148 = arith.constant 0 : i32
      %sign3A_149 = arith.cmpi slt, %jit3A, %sign3A_148 : i32
      %sign3A_150 = arith.extui %sign3A_149 : i1 to i32
      %sign3A_151 = arith.subi %sign3A_147, %sign3A_150 : i32
      %ne3A = arith.cmpi ne, %sign3A_144, %sign3A_151 : i32
      %rem3A_152 = arith.remsi %scan3A_135, %jit3A : i32
      %ne3A_153 = arith.constant 0 : i32
      %ne3A_154 = arith.cmpi ne, %rem3A_152, %ne3A_153 : i32
      %and3A = arith.andi %ne3A, %ne3A_154 : i1
      %sub3A = arith.constant 1 : i32
      %sub3A_155 = arith.subi %div3A, %sub3A : i32
      %select_n3A = arith.select %and3A, %sub3A_155, %div3A : i32
      %jit3A_156 = arith.constant 2 : i32
      %eq3A = arith.constant 0 : i32
      %eq3A_157 = arith.cmpi eq, %jit3A_156, %eq3A : i32
      %jit3A_158 = arith.constant 1 : i32
      %select_n3A_159 = arith.select %eq3A_157, %jit3A_158, %jit3A_156 : i32
      %rem3A_160 = arith.remsi %scan3A_135, %select_n3A_159 : i32
      %ne3A_161 = arith.constant 0 : i32
      %ne3A_162 = arith.cmpi ne, %rem3A_160, %ne3A_161 : i32
      %lt3A = arith.constant 0 : i32
      %lt3A_163 = arith.cmpi slt, %rem3A_160, %lt3A : i32
      %lt3A_164 = arith.constant 0 : i32
      %lt3A_165 = arith.cmpi slt, %select_n3A_159, %lt3A_164 : i32
      %ne3A_166 = arith.xori %lt3A_163, %lt3A_165 : i1
      %and3A_167 = arith.andi %ne3A_166, %ne3A_162 : i1
      %add3A_168 = arith.addi %rem3A_160, %select_n3A_159 : i32
      %select_n3A_169 = arith.select %and3A_167, %add3A_168, %rem3A_160 : i32
      %mul3A_170 = arith.constant 64 : i32
      %mul3A_171 = arith.muli %mul3A_170, %select_n3A_169 : i32
      %multiple_of3A_172 = tpu.assume_multiple %mul3A_171, 64 : i32
      %dma_wait3A_173 = arith.constant 0 : i32
      %dma_wait3A_174 = arith.constant 0 : i32
      %dma_wait3A_175 = tpu.memref_slice %arg9[%rem3A_138, %dma_wait3A_173, %dma_wait3A_174] : memref<3x64x128xf32, #tpu.memory_space<vmem>> -> memref<1x64x128xf32, #tpu.memory_space<vmem>>
      %dma_wait3A_176 = tpu.memref_squeeze %dma_wait3A_175 : memref<1x64x128xf32, #tpu.memory_space<vmem>> -> memref<64x128xf32, #tpu.memory_space<vmem>>
      %dma_wait3A_177 = arith.constant 0 : i32
      %dma_wait3A_178 = tpu.memref_slice %arg7[%select_n3A, %dma_wait3A_177] : memref<80x128xi32, #tpu.memory_space<vmem>> -> memref<1x128xi32, #tpu.memory_space<vmem>>
      %dma_wait3A_179 = tpu.memref_squeeze %dma_wait3A_178 : memref<1x128xi32, #tpu.memory_space<vmem>> -> memref<128xi32, #tpu.memory_space<vmem>>
      %dma_wait3A_180 = tpu.memref_slice %dma_wait3A_179[%multiple_of3A_172] : memref<128xi32, #tpu.memory_space<vmem>> -> memref<64xi32, #tpu.memory_space<vmem>>
      %dma_wait3A_181 = arith.constant 0 : i32
      %dma_wait3A_182 = arith.constant 0 : i32
      %dma_wait3A_183 = tpu.memref_slice %arg4[%dma_wait3A_181, %dma_wait3A_182] : memref<20000x128xf32, #tpu.memory_space<hbm>> -> memref<20000x128xf32, #tpu.memory_space<hbm>>
      %dma_wait3A_184 = tpu.memref_slice %arg11[%rem3A_138] : memref<3x!tpu.dma_semaphore, #tpu.memory_space<semaphore_mem>> -> memref<1x!tpu.dma_semaphore, #tpu.memory_space<semaphore_mem>>
      %dma_wait3A_185 = tpu.memref_squeeze %dma_wait3A_184 : memref<1x!tpu.dma_semaphore, #tpu.memory_space<semaphore_mem>> -> memref<!tpu.dma_semaphore, #tpu.memory_space<semaphore_mem>>
      tpu.wait_indirect_dma semaphore(%dma_wait3A_185 : memref<!tpu.dma_semaphore, #tpu.memory_space<semaphore_mem>>) src(%dma_wait3A_183 : memref<20000x128xf32, #tpu.memory_space<hbm>>) dst(%dma_wait3A_176 : memref<64x128xf32, #tpu.memory_space<vmem>>)
      %rem3A_186 = arith.constant 16 : i32
      %rem3A_187 = arith.remsi %scan3A_135, %rem3A_186 : i32
      %eq3A_188 = arith.constant 0 : i32
      %eq3A_189 = arith.cmpi eq, %rem3A_187, %eq3A_188 : i32
      %ge3A = arith.constant 32 : i32
      %ge3A_190 = arith.cmpi sge, %scan3A_135, %ge3A : i32
      %and3A_191 = arith.andi %eq3A_189, %ge3A_190 : i1
      %convert_element_type3A = arith.extui %and3A_191 : i1 to i32
      %cond3A = arith.constant 0 : i32
      %cond3A_192 = arith.cmpi ne, %convert_element_type3A, %cond3A : i32
      scf.if %cond3A_192 {
        %jit3A_282 = arith.constant 16 : i32
        %div3A_283 = arith.divsi %scan3A_135, %jit3A_282 : i32
        %sign3A_284 = arith.constant 0 : i32
        %sign3A_285 = arith.cmpi sgt, %scan3A_135, %sign3A_284 : i32
        %sign3A_286 = arith.extui %sign3A_285 : i1 to i32
        %sign3A_287 = arith.constant 0 : i32
        %sign3A_288 = arith.cmpi slt, %scan3A_135, %sign3A_287 : i32
        %sign3A_289 = arith.extui %sign3A_288 : i1 to i32
        %sign3A_290 = arith.subi %sign3A_286, %sign3A_289 : i32
        %sign3A_291 = arith.constant 0 : i32
        %sign3A_292 = arith.cmpi sgt, %jit3A_282, %sign3A_291 : i32
        %sign3A_293 = arith.extui %sign3A_292 : i1 to i32
        %sign3A_294 = arith.constant 0 : i32
        %sign3A_295 = arith.cmpi slt, %jit3A_282, %sign3A_294 : i32
        %sign3A_296 = arith.extui %sign3A_295 : i1 to i32
        %sign3A_297 = arith.subi %sign3A_293, %sign3A_296 : i32
        %ne3A_298 = arith.cmpi ne, %sign3A_290, %sign3A_297 : i32
        %rem3A_299 = arith.remsi %scan3A_135, %jit3A_282 : i32
        %ne3A_300 = arith.constant 0 : i32
        %ne3A_301 = arith.cmpi ne, %rem3A_299, %ne3A_300 : i32
        %and3A_302 = arith.andi %ne3A_298, %ne3A_301 : i1
        %sub3A_303 = arith.constant 1 : i32
        %sub3A_304 = arith.subi %div3A_283, %sub3A_303 : i32
        %select_n3A_305 = arith.select %and3A_302, %sub3A_304, %div3A_283 : i32
        %rem3A_306 = arith.constant 2 : i32
        %rem3A_307 = arith.remsi %select_n3A_305, %rem3A_306 : i32
        %mul3A_308 = arith.constant 10 : i32
        %mul3A_309 = arith.muli %mul3A_308, %arg1 : i32
        %add3A_310 = arith.addi %mul3A_309, %select_n3A_305 : i32
        %dma_wait3A_311 = arith.constant 0 : i32
        %dma_wait3A_312 = arith.constant 0 : i32
        %dma_wait3A_313 = tpu.memref_slice %arg8[%rem3A_307, %dma_wait3A_311, %dma_wait3A_312] : memref<2x16x64xi32, #tpu.memory_space<vmem>> -> memref<1x16x64xi32, #tpu.memory_space<vmem>>
        %dma_wait3A_314 = tpu.memref_squeeze %dma_wait3A_313 : memref<1x16x64xi32, #tpu.memory_space<vmem>> -> memref<16x64xi32, #tpu.memory_space<vmem>>
        %dma_wait3A_315 = arith.constant 0 : i32
        %dma_wait3A_316 = arith.constant 0 : i32
        %dma_wait3A_317 = tpu.memref_slice %arg3[%add3A_310, %dma_wait3A_315, %dma_wait3A_316] : memref<160x16x64xi32, #tpu.memory_space<hbm>> -> memref<1x16x64xi32, #tpu.memory_space<hbm>>
        %dma_wait3A_318 = tpu.memref_squeeze %dma_wait3A_317 : memref<1x16x64xi32, #tpu.memory_space<hbm>> -> memref<16x64xi32, #tpu.memory_space<hbm>>
        %dma_wait3A_319 = tpu.memref_slice %arg13[%rem3A_307] : memref<2x!tpu.dma_semaphore, #tpu.memory_space<semaphore_mem>> -> memref<1x!tpu.dma_semaphore, #tpu.memory_space<semaphore_mem>>
        %dma_wait3A_320 = tpu.memref_squeeze %dma_wait3A_319 : memref<1x!tpu.dma_semaphore, #tpu.memory_space<semaphore_mem>> -> memref<!tpu.dma_semaphore, #tpu.memory_space<semaphore_mem>>
        %dma_wait3A_321 = arith.constant 0 : i32
        %dma_wait3A_322 = arith.constant 0 : i32
        %dma_wait3A_323 = tpu.memref_slice %arg8[%rem3A_307, %dma_wait3A_321, %dma_wait3A_322] : memref<2x16x64xi32, #tpu.memory_space<vmem>> -> memref<1x16x64xi32, #tpu.memory_space<vmem>>
        %dma_wait3A_324 = tpu.memref_squeeze %dma_wait3A_323 : memref<1x16x64xi32, #tpu.memory_space<vmem>> -> memref<16x64xi32, #tpu.memory_space<vmem>>
        %dma_wait3A_325 = arith.constant 0 : i32
        %dma_wait3A_326 = arith.constant 0 : i32
        %dma_wait3A_327 = tpu.memref_slice %arg3[%add3A_310, %dma_wait3A_325, %dma_wait3A_326] : memref<160x16x64xi32, #tpu.memory_space<hbm>> -> memref<1x16x64xi32, #tpu.memory_space<hbm>>
        %dma_wait3A_328 = tpu.memref_squeeze %dma_wait3A_327 : memref<1x16x64xi32, #tpu.memory_space<hbm>> -> memref<16x64xi32, #tpu.memory_space<hbm>>
        tpu.wait_dma2 semaphore(%dma_wait3A_320 : memref<!tpu.dma_semaphore, #tpu.memory_space<semaphore_mem>>) src(%dma_wait3A_328 : memref<16x64xi32, #tpu.memory_space<hbm>>) dst(%dma_wait3A_324 : memref<16x64xi32, #tpu.memory_space<vmem>>)
      } else {
      }
      %jit3A_193 = arith.constant 16 : i32
      %div3A_194 = arith.divsi %scan3A_135, %jit3A_193 : i32
      %sign3A_195 = arith.constant 0 : i32
      %sign3A_196 = arith.cmpi sgt, %scan3A_135, %sign3A_195 : i32
      %sign3A_197 = arith.extui %sign3A_196 : i1 to i32
      %sign3A_198 = arith.constant 0 : i32
      %sign3A_199 = arith.cmpi slt, %scan3A_135, %sign3A_198 : i32
      %sign3A_200 = arith.extui %sign3A_199 : i1 to i32
      %sign3A_201 = arith.subi %sign3A_197, %sign3A_200 : i32
      %sign3A_202 = arith.constant 0 : i32
      %sign3A_203 = arith.cmpi sgt, %jit3A_193, %sign3A_202 : i32
      %sign3A_204 = arith.extui %sign3A_203 : i1 to i32
      %sign3A_205 = arith.constant 0 : i32
      %sign3A_206 = arith.cmpi slt, %jit3A_193, %sign3A_205 : i32
      %sign3A_207 = arith.extui %sign3A_206 : i1 to i32
      %sign3A_208 = arith.subi %sign3A_204, %sign3A_207 : i32
      %ne3A_209 = arith.cmpi ne, %sign3A_201, %sign3A_208 : i32
      %rem3A_210 = arith.remsi %scan3A_135, %jit3A_193 : i32
      %ne3A_211 = arith.constant 0 : i32
      %ne3A_212 = arith.cmpi ne, %rem3A_210, %ne3A_211 : i32
      %and3A_213 = arith.andi %ne3A_209, %ne3A_212 : i1
      %sub3A_214 = arith.constant 1 : i32
      %sub3A_215 = arith.subi %div3A_194, %sub3A_214 : i32
      %select_n3A_216 = arith.select %and3A_213, %sub3A_215, %div3A_194 : i32
      %rem3A_217 = arith.constant 2 : i32
      %rem3A_218 = arith.remsi %select_n3A_216, %rem3A_217 : i32
      %rem3A_219 = arith.constant 16 : i32
      %rem3A_220 = arith.remsi %scan3A_135, %rem3A_219 : i32
      %dma_start3A_221 = arith.constant 0 : i32
      %dma_start3A_222 = arith.constant 0 : i32
      %dma_start3A_223 = tpu.memref_slice %arg9[%rem3A_138, %dma_start3A_221, %dma_start3A_222] : memref<3x64x128xf32, #tpu.memory_space<vmem>> -> memref<1x64x128xf32, #tpu.memory_space<vmem>>
      %dma_start3A_224 = tpu.memref_squeeze %dma_start3A_223 : memref<1x64x128xf32, #tpu.memory_space<vmem>> -> memref<64x128xf32, #tpu.memory_space<vmem>>
      %dma_start3A_225 = arith.constant 0 : i32
      %dma_start3A_226 = arith.constant 0 : i32
      %dma_start3A_227 = tpu.memref_slice %arg8[%rem3A_218, %dma_start3A_225, %dma_start3A_226] : memref<2x16x64xi32, #tpu.memory_space<vmem>> -> memref<1x16x64xi32, #tpu.memory_space<vmem>>
      %dma_start3A_228 = tpu.memref_squeeze %dma_start3A_227 : memref<1x16x64xi32, #tpu.memory_space<vmem>> -> memref<16x64xi32, #tpu.memory_space<vmem>>
      %dma_start3A_229 = arith.constant 0 : i32
      %dma_start3A_230 = tpu.memref_slice %dma_start3A_228[%rem3A_220, %dma_start3A_229] : memref<16x64xi32, #tpu.memory_space<vmem>> -> memref<1x64xi32, #tpu.memory_space<vmem>>
      %dma_start3A_231 = tpu.memref_squeeze %dma_start3A_230 : memref<1x64xi32, #tpu.memory_space<vmem>> -> memref<64xi32, #tpu.memory_space<vmem>>
      %dma_start3A_232 = arith.constant 0 : i32
      %dma_start3A_233 = arith.constant 0 : i32
      %dma_start3A_234 = tpu.memref_slice %arg6[%dma_start3A_232, %dma_start3A_233] : memref<10240x128xf32, #tpu.memory_space<vmem_shared>> -> memref<10240x128xf32, #tpu.memory_space<vmem_shared>>
      %dma_start3A_235 = tpu.memref_slice %arg12[%rem3A_138] : memref<3x!tpu.dma_semaphore, #tpu.memory_space<semaphore_mem>> -> memref<1x!tpu.dma_semaphore, #tpu.memory_space<semaphore_mem>>
      %dma_start3A_236 = tpu.memref_squeeze %dma_start3A_235 : memref<1x!tpu.dma_semaphore, #tpu.memory_space<semaphore_mem>> -> memref<!tpu.dma_semaphore, #tpu.memory_space<semaphore_mem>>
      tpu.enqueue_indirect_dma source(%dma_start3A_224 : memref<64x128xf32, #tpu.memory_space<vmem>>) target(%dma_start3A_234 : memref<10240x128xf32, #tpu.memory_space<vmem_shared>>) offsets(%dma_start3A_231 : memref<64xi32, #tpu.memory_space<vmem>>) semaphore(%dma_start3A_236 : memref<!tpu.dma_semaphore, #tpu.memory_space<semaphore_mem>>) {add = true}
      %ge3A_237 = arith.constant 1 : i32
      %ge3A_238 = arith.cmpi sge, %scan3A_135, %ge3A_237 : i32
      %convert_element_type3A_239 = arith.extui %ge3A_238 : i1 to i32
      %cond3A_240 = arith.constant 0 : i32
      %cond3A_241 = arith.cmpi ne, %convert_element_type3A_239, %cond3A_240 : i32
      scf.if %cond3A_241 {
        %add3A_282 = arith.constant 3 : i32
        %add3A_283 = arith.addi %scan3A_135, %add3A_282 : i32
        %sub3A_284 = arith.constant 1 : i32
        %sub3A_285 = arith.subi %add3A_283, %sub3A_284 : i32
        %rem3A_286 = arith.constant 3 : i32
        %rem3A_287 = arith.remsi %sub3A_285, %rem3A_286 : i32
        %sub3A_288 = arith.constant 1 : i32
        %sub3A_289 = arith.subi %scan3A_135, %sub3A_288 : i32
        %jit3A_290 = arith.constant 16 : i32
        %div3A_291 = arith.divsi %sub3A_289, %jit3A_290 : i32
        %sign3A_292 = arith.constant 0 : i32
        %sign3A_293 = arith.cmpi sgt, %sub3A_289, %sign3A_292 : i32
        %sign3A_294 = arith.extui %sign3A_293 : i1 to i32
        %sign3A_295 = arith.constant 0 : i32
        %sign3A_296 = arith.cmpi slt, %sub3A_289, %sign3A_295 : i32
        %sign3A_297 = arith.extui %sign3A_296 : i1 to i32
        %sign3A_298 = arith.subi %sign3A_294, %sign3A_297 : i32
        %sign3A_299 = arith.constant 0 : i32
        %sign3A_300 = arith.cmpi sgt, %jit3A_290, %sign3A_299 : i32
        %sign3A_301 = arith.extui %sign3A_300 : i1 to i32
        %sign3A_302 = arith.constant 0 : i32
        %sign3A_303 = arith.cmpi slt, %jit3A_290, %sign3A_302 : i32
        %sign3A_304 = arith.extui %sign3A_303 : i1 to i32
        %sign3A_305 = arith.subi %sign3A_301, %sign3A_304 : i32
        %ne3A_306 = arith.cmpi ne, %sign3A_298, %sign3A_305 : i32
        %rem3A_307 = arith.remsi %sub3A_289, %jit3A_290 : i32
        %ne3A_308 = arith.constant 0 : i32
        %ne3A_309 = arith.cmpi ne, %rem3A_307, %ne3A_308 : i32
        %and3A_310 = arith.andi %ne3A_306, %ne3A_309 : i1
        %sub3A_311 = arith.constant 1 : i32
        %sub3A_312 = arith.subi %div3A_291, %sub3A_311 : i32
        %select_n3A_313 = arith.select %and3A_310, %sub3A_312, %div3A_291 : i32
        %rem3A_314 = arith.constant 2 : i32
        %rem3A_315 = arith.remsi %select_n3A_313, %rem3A_314 : i32
        %rem3A_316 = arith.constant 16 : i32
        %rem3A_317 = arith.remsi %sub3A_289, %rem3A_316 : i32
        %dma_wait3A_318 = arith.constant 0 : i32
        %dma_wait3A_319 = arith.constant 0 : i32
        %dma_wait3A_320 = tpu.memref_slice %arg9[%rem3A_287, %dma_wait3A_318, %dma_wait3A_319] : memref<3x64x128xf32, #tpu.memory_space<vmem>> -> memref<1x64x128xf32, #tpu.memory_space<vmem>>
        %dma_wait3A_321 = tpu.memref_squeeze %dma_wait3A_320 : memref<1x64x128xf32, #tpu.memory_space<vmem>> -> memref<64x128xf32, #tpu.memory_space<vmem>>
        %dma_wait3A_322 = arith.constant 0 : i32
        %dma_wait3A_323 = arith.constant 0 : i32
        %dma_wait3A_324 = tpu.memref_slice %arg8[%rem3A_315, %dma_wait3A_322, %dma_wait3A_323] : memref<2x16x64xi32, #tpu.memory_space<vmem>> -> memref<1x16x64xi32, #tpu.memory_space<vmem>>
        %dma_wait3A_325 = tpu.memref_squeeze %dma_wait3A_324 : memref<1x16x64xi32, #tpu.memory_space<vmem>> -> memref<16x64xi32, #tpu.memory_space<vmem>>
        %dma_wait3A_326 = arith.constant 0 : i32
        %dma_wait3A_327 = tpu.memref_slice %dma_wait3A_325[%rem3A_317, %dma_wait3A_326] : memref<16x64xi32, #tpu.memory_space<vmem>> -> memref<1x64xi32, #tpu.memory_space<vmem>>
        %dma_wait3A_328 = tpu.memref_squeeze %dma_wait3A_327 : memref<1x64xi32, #tpu.memory_space<vmem>> -> memref<64xi32, #tpu.memory_space<vmem>>
        %dma_wait3A_329 = arith.constant 0 : i32
        %dma_wait3A_330 = arith.constant 0 : i32
        %dma_wait3A_331 = tpu.memref_slice %arg6[%dma_wait3A_329, %dma_wait3A_330] : memref<10240x128xf32, #tpu.memory_space<vmem_shared>> -> memref<10240x128xf32, #tpu.memory_space<vmem_shared>>
        %dma_wait3A_332 = tpu.memref_slice %arg12[%rem3A_287] : memref<3x!tpu.dma_semaphore, #tpu.memory_space<semaphore_mem>> -> memref<1x!tpu.dma_semaphore, #tpu.memory_space<semaphore_mem>>
        %dma_wait3A_333 = tpu.memref_squeeze %dma_wait3A_332 : memref<1x!tpu.dma_semaphore, #tpu.memory_space<semaphore_mem>> -> memref<!tpu.dma_semaphore, #tpu.memory_space<semaphore_mem>>
        tpu.wait_indirect_dma semaphore(%dma_wait3A_333 : memref<!tpu.dma_semaphore, #tpu.memory_space<semaphore_mem>>) src(%dma_wait3A_321 : memref<64x128xf32, #tpu.memory_space<vmem>>) dst(%dma_wait3A_331 : memref<10240x128xf32, #tpu.memory_space<vmem_shared>>)
        %add3A_334 = arith.constant 3 : i32
        %add3A_335 = arith.addi %scan3A_135, %add3A_334 : i32
        %sub3A_336 = arith.constant 1 : i32
        %sub3A_337 = arith.subi %add3A_335, %sub3A_336 : i32
        %lt3A_338 = arith.constant 160 : i32
        %lt3A_339 = arith.cmpi slt, %sub3A_337, %lt3A_338 : i32
        %convert_element_type3A_340 = arith.extui %lt3A_339 : i1 to i32
        %cond3A_341 = arith.constant 0 : i32
        %cond3A_342 = arith.cmpi ne, %convert_element_type3A_340, %cond3A_341 : i32
        scf.if %cond3A_342 {
          %add3A_343 = arith.constant 3 : i32
          %add3A_344 = arith.addi %scan3A_135, %add3A_343 : i32
          %sub3A_345 = arith.constant 1 : i32
          %sub3A_346 = arith.subi %add3A_344, %sub3A_345 : i32
          %jit3A_347 = arith.constant 2 : i32
          %div3A_348 = arith.divsi %sub3A_346, %jit3A_347 : i32
          %sign3A_349 = arith.constant 0 : i32
          %sign3A_350 = arith.cmpi sgt, %sub3A_346, %sign3A_349 : i32
          %sign3A_351 = arith.extui %sign3A_350 : i1 to i32
          %sign3A_352 = arith.constant 0 : i32
          %sign3A_353 = arith.cmpi slt, %sub3A_346, %sign3A_352 : i32
          %sign3A_354 = arith.extui %sign3A_353 : i1 to i32
          %sign3A_355 = arith.subi %sign3A_351, %sign3A_354 : i32
          %sign3A_356 = arith.constant 0 : i32
          %sign3A_357 = arith.cmpi sgt, %jit3A_347, %sign3A_356 : i32
          %sign3A_358 = arith.extui %sign3A_357 : i1 to i32
          %sign3A_359 = arith.constant 0 : i32
          %sign3A_360 = arith.cmpi slt, %jit3A_347, %sign3A_359 : i32
          %sign3A_361 = arith.extui %sign3A_360 : i1 to i32
          %sign3A_362 = arith.subi %sign3A_358, %sign3A_361 : i32
          %ne3A_363 = arith.cmpi ne, %sign3A_355, %sign3A_362 : i32
          %rem3A_364 = arith.remsi %sub3A_346, %jit3A_347 : i32
          %ne3A_365 = arith.constant 0 : i32
          %ne3A_366 = arith.cmpi ne, %rem3A_364, %ne3A_365 : i32
          %and3A_367 = arith.andi %ne3A_363, %ne3A_366 : i1
          %sub3A_368 = arith.constant 1 : i32
          %sub3A_369 = arith.subi %div3A_348, %sub3A_368 : i32
          %select_n3A_370 = arith.select %and3A_367, %sub3A_369, %div3A_348 : i32
          %jit3A_371 = arith.constant 2 : i32
          %eq3A_372 = arith.constant 0 : i32
          %eq3A_373 = arith.cmpi eq, %jit3A_371, %eq3A_372 : i32
          %jit3A_374 = arith.constant 1 : i32
          %select_n3A_375 = arith.select %eq3A_373, %jit3A_374, %jit3A_371 : i32
          %rem3A_376 = arith.remsi %sub3A_346, %select_n3A_375 : i32
          %ne3A_377 = arith.constant 0 : i32
          %ne3A_378 = arith.cmpi ne, %rem3A_376, %ne3A_377 : i32
          %lt3A_379 = arith.constant 0 : i32
          %lt3A_380 = arith.cmpi slt, %rem3A_376, %lt3A_379 : i32
          %lt3A_381 = arith.constant 0 : i32
          %lt3A_382 = arith.cmpi slt, %select_n3A_375, %lt3A_381 : i32
          %ne3A_383 = arith.xori %lt3A_380, %lt3A_382 : i1
          %and3A_384 = arith.andi %ne3A_383, %ne3A_378 : i1
          %add3A_385 = arith.addi %rem3A_376, %select_n3A_375 : i32
          %select_n3A_386 = arith.select %and3A_384, %add3A_385, %rem3A_376 : i32
          %mul3A_387 = arith.constant 64 : i32
          %mul3A_388 = arith.muli %mul3A_387, %select_n3A_386 : i32
          %multiple_of3A_389 = tpu.assume_multiple %mul3A_388, 64 : i32
          %dma_start3A_390 = arith.constant 0 : i32
          %dma_start3A_391 = arith.constant 0 : i32
          %dma_start3A_392 = tpu.memref_slice %arg9[%rem3A_287, %dma_start3A_390, %dma_start3A_391] : memref<3x64x128xf32, #tpu.memory_space<vmem>> -> memref<1x64x128xf32, #tpu.memory_space<vmem>>
          %dma_start3A_393 = tpu.memref_squeeze %dma_start3A_392 : memref<1x64x128xf32, #tpu.memory_space<vmem>> -> memref<64x128xf32, #tpu.memory_space<vmem>>
          %dma_start3A_394 = arith.constant 0 : i32
          %dma_start3A_395 = tpu.memref_slice %arg7[%select_n3A_370, %dma_start3A_394] : memref<80x128xi32, #tpu.memory_space<vmem>> -> memref<1x128xi32, #tpu.memory_space<vmem>>
          %dma_start3A_396 = tpu.memref_squeeze %dma_start3A_395 : memref<1x128xi32, #tpu.memory_space<vmem>> -> memref<128xi32, #tpu.memory_space<vmem>>
          %dma_start3A_397 = tpu.memref_slice %dma_start3A_396[%multiple_of3A_389] : memref<128xi32, #tpu.memory_space<vmem>> -> memref<64xi32, #tpu.memory_space<vmem>>
          %dma_start3A_398 = arith.constant 0 : i32
          %dma_start3A_399 = arith.constant 0 : i32
          %dma_start3A_400 = tpu.memref_slice %arg4[%dma_start3A_398, %dma_start3A_399] : memref<20000x128xf32, #tpu.memory_space<hbm>> -> memref<20000x128xf32, #tpu.memory_space<hbm>>
          %dma_start3A_401 = tpu.memref_slice %arg11[%rem3A_287] : memref<3x!tpu.dma_semaphore, #tpu.memory_space<semaphore_mem>> -> memref<1x!tpu.dma_semaphore, #tpu.memory_space<semaphore_mem>>
          %dma_start3A_402 = tpu.memref_squeeze %dma_start3A_401 : memref<1x!tpu.dma_semaphore, #tpu.memory_space<semaphore_mem>> -> memref<!tpu.dma_semaphore, #tpu.memory_space<semaphore_mem>>
          tpu.enqueue_indirect_dma source(%dma_start3A_400 : memref<20000x128xf32, #tpu.memory_space<hbm>>) target(%dma_start3A_393 : memref<64x128xf32, #tpu.memory_space<vmem>>) offsets(%dma_start3A_397 : memref<64xi32, #tpu.memory_space<vmem>>) semaphore(%dma_start3A_402 : memref<!tpu.dma_semaphore, #tpu.memory_space<semaphore_mem>>)
        } else {
        }
      } else {
      }
      %rem3A_242 = arith.constant 16 : i32
      %rem3A_243 = arith.remsi %scan3A_135, %rem3A_242 : i32
      %eq3A_244 = arith.constant 0 : i32
      %eq3A_245 = arith.cmpi eq, %rem3A_243, %eq3A_244 : i32
      %ge3A_246 = arith.constant 16 : i32
      %ge3A_247 = arith.cmpi sge, %scan3A_135, %ge3A_246 : i32
      %and3A_248 = arith.andi %eq3A_245, %ge3A_247 : i1
      %jit3A_249 = arith.constant 16 : i32
      %div3A_250 = arith.divsi %scan3A_135, %jit3A_249 : i32
      %sign3A_251 = arith.constant 0 : i32
      %sign3A_252 = arith.cmpi sgt, %scan3A_135, %sign3A_251 : i32
      %sign3A_253 = arith.extui %sign3A_252 : i1 to i32
      %sign3A_254 = arith.constant 0 : i32
      %sign3A_255 = arith.cmpi slt, %scan3A_135, %sign3A_254 : i32
      %sign3A_256 = arith.extui %sign3A_255 : i1 to i32
      %sign3A_257 = arith.subi %sign3A_253, %sign3A_256 : i32
      %sign3A_258 = arith.constant 0 : i32
      %sign3A_259 = arith.cmpi sgt, %jit3A_249, %sign3A_258 : i32
      %sign3A_260 = arith.extui %sign3A_259 : i1 to i32
      %sign3A_261 = arith.constant 0 : i32
      %sign3A_262 = arith.cmpi slt, %jit3A_249, %sign3A_261 : i32
      %sign3A_263 = arith.extui %sign3A_262 : i1 to i32
      %sign3A_264 = arith.subi %sign3A_260, %sign3A_263 : i32
      %ne3A_265 = arith.cmpi ne, %sign3A_257, %sign3A_264 : i32
      %rem3A_266 = arith.remsi %scan3A_135, %jit3A_249 : i32
      %ne3A_267 = arith.constant 0 : i32
      %ne3A_268 = arith.cmpi ne, %rem3A_266, %ne3A_267 : i32
      %and3A_269 = arith.andi %ne3A_265, %ne3A_268 : i1
      %sub3A_270 = arith.constant 1 : i32
      %sub3A_271 = arith.subi %div3A_250, %sub3A_270 : i32
      %select_n3A_272 = arith.select %and3A_269, %sub3A_271, %div3A_250 : i32
      %add3A_273 = arith.constant 1 : i32
      %add3A_274 = arith.addi %select_n3A_272, %add3A_273 : i32
      %lt3A_275 = arith.constant 10 : i32
      %lt3A_276 = arith.cmpi slt, %add3A_274, %lt3A_275 : i32
      %and3A_277 = arith.andi %and3A_248, %lt3A_276 : i1
      %convert_element_type3A_278 = arith.extui %and3A_277 : i1 to i32
      %cond3A_279 = arith.constant 0 : i32
      %cond3A_280 = arith.cmpi ne, %convert_element_type3A_278, %cond3A_279 : i32
      scf.if %cond3A_280 {
        %jit3A_282 = arith.constant 16 : i32
        %div3A_283 = arith.divsi %scan3A_135, %jit3A_282 : i32
        %sign3A_284 = arith.constant 0 : i32
        %sign3A_285 = arith.cmpi sgt, %scan3A_135, %sign3A_284 : i32
        %sign3A_286 = arith.extui %sign3A_285 : i1 to i32
        %sign3A_287 = arith.constant 0 : i32
        %sign3A_288 = arith.cmpi slt, %scan3A_135, %sign3A_287 : i32
        %sign3A_289 = arith.extui %sign3A_288 : i1 to i32
        %sign3A_290 = arith.subi %sign3A_286, %sign3A_289 : i32
        %sign3A_291 = arith.constant 0 : i32
        %sign3A_292 = arith.cmpi sgt, %jit3A_282, %sign3A_291 : i32
        %sign3A_293 = arith.extui %sign3A_292 : i1 to i32
        %sign3A_294 = arith.constant 0 : i32
        %sign3A_295 = arith.cmpi slt, %jit3A_282, %sign3A_294 : i32
        %sign3A_296 = arith.extui %sign3A_295 : i1 to i32
        %sign3A_297 = arith.subi %sign3A_293, %sign3A_296 : i32
        %ne3A_298 = arith.cmpi ne, %sign3A_290, %sign3A_297 : i32
        %rem3A_299 = arith.remsi %scan3A_135, %jit3A_282 : i32
        %ne3A_300 = arith.constant 0 : i32
        %ne3A_301 = arith.cmpi ne, %rem3A_299, %ne3A_300 : i32
        %and3A_302 = arith.andi %ne3A_298, %ne3A_301 : i1
        %sub3A_303 = arith.constant 1 : i32
        %sub3A_304 = arith.subi %div3A_283, %sub3A_303 : i32
        %select_n3A_305 = arith.select %and3A_302, %sub3A_304, %div3A_283 : i32
        %add3A_306 = arith.constant 1 : i32
        %add3A_307 = arith.addi %select_n3A_305, %add3A_306 : i32
        %rem3A_308 = arith.constant 2 : i32
        %rem3A_309 = arith.remsi %add3A_307, %rem3A_308 : i32
        %mul3A_310 = arith.constant 10 : i32
        %mul3A_311 = arith.muli %mul3A_310, %arg1 : i32
        %add3A_312 = arith.addi %mul3A_311, %add3A_307 : i32
        %dma_start3A_313 = arith.constant 0 : i32
        %dma_start3A_314 = arith.constant 0 : i32
        %dma_start3A_315 = tpu.memref_slice %arg8[%rem3A_309, %dma_start3A_313, %dma_start3A_314] : memref<2x16x64xi32, #tpu.memory_space<vmem>> -> memref<1x16x64xi32, #tpu.memory_space<vmem>>
        %dma_start3A_316 = tpu.memref_squeeze %dma_start3A_315 : memref<1x16x64xi32, #tpu.memory_space<vmem>> -> memref<16x64xi32, #tpu.memory_space<vmem>>
        %dma_start3A_317 = arith.constant 0 : i32
        %dma_start3A_318 = arith.constant 0 : i32
        %dma_start3A_319 = tpu.memref_slice %arg3[%add3A_312, %dma_start3A_317, %dma_start3A_318] : memref<160x16x64xi32, #tpu.memory_space<hbm>> -> memref<1x16x64xi32, #tpu.memory_space<hbm>>
        %dma_start3A_320 = tpu.memref_squeeze %dma_start3A_319 : memref<1x16x64xi32, #tpu.memory_space<hbm>> -> memref<16x64xi32, #tpu.memory_space<hbm>>
        %dma_start3A_321 = tpu.memref_slice %arg13[%rem3A_309] : memref<2x!tpu.dma_semaphore, #tpu.memory_space<semaphore_mem>> -> memref<1x!tpu.dma_semaphore, #tpu.memory_space<semaphore_mem>>
        %dma_start3A_322 = tpu.memref_squeeze %dma_start3A_321 : memref<1x!tpu.dma_semaphore, #tpu.memory_space<semaphore_mem>> -> memref<!tpu.dma_semaphore, #tpu.memory_space<semaphore_mem>>
        %dma_start3A_323 = arith.constant 0 : i32
        %dma_start3A_324 = arith.constant 0 : i32
        %dma_start3A_325 = tpu.memref_slice %arg8[%rem3A_309, %dma_start3A_323, %dma_start3A_324] : memref<2x16x64xi32, #tpu.memory_space<vmem>> -> memref<1x16x64xi32, #tpu.memory_space<vmem>>
        %dma_start3A_326 = tpu.memref_squeeze %dma_start3A_325 : memref<1x16x64xi32, #tpu.memory_space<vmem>> -> memref<16x64xi32, #tpu.memory_space<vmem>>
        %dma_start3A_327 = arith.constant 0 : i32
        %dma_start3A_328 = arith.constant 0 : i32
        %dma_start3A_329 = tpu.memref_slice %arg3[%add3A_312, %dma_start3A_327, %dma_start3A_328] : memref<160x16x64xi32, #tpu.memory_space<hbm>> -> memref<1x16x64xi32, #tpu.memory_space<hbm>>
        %dma_start3A_330 = tpu.memref_squeeze %dma_start3A_329 : memref<1x16x64xi32, #tpu.memory_space<hbm>> -> memref<16x64xi32, #tpu.memory_space<hbm>>
        tpu.enqueue_dma source(%dma_start3A_330 : memref<16x64xi32, #tpu.memory_space<hbm>>) target(%dma_start3A_326 : memref<16x64xi32, #tpu.memory_space<vmem>>) target_semaphore(%dma_start3A_322 : memref<!tpu.dma_semaphore, #tpu.memory_space<semaphore_mem>>)
      } else {
      }
      %scan3A_281 = arith.constant 0 : i32
      scf.yield %scan3A_281 : i32
    }
    %scan3A_106 = arith.constant 160 : i32
    %rem3A = arith.constant 159 : i32
    %rem3A_107 = arith.constant 3 : i32
    %rem3A_108 = arith.remsi %rem3A, %rem3A_107 : i32
    %rem3A_109 = arith.constant 9 : i32
    %rem3A_110 = arith.constant 2 : i32
    %rem3A_111 = arith.remsi %rem3A_109, %rem3A_110 : i32
    %rem3A_112 = arith.constant 159 : i32
    %rem3A_113 = arith.constant 16 : i32
    %rem3A_114 = arith.remsi %rem3A_112, %rem3A_113 : i32
    %dma_wait3A = arith.constant 0 : i32
    %dma_wait3A_115 = arith.constant 0 : i32
    %dma_wait3A_116 = tpu.memref_slice %arg9[%rem3A_108, %dma_wait3A, %dma_wait3A_115] : memref<3x64x128xf32, #tpu.memory_space<vmem>> -> memref<1x64x128xf32, #tpu.memory_space<vmem>>
    %dma_wait3A_117 = tpu.memref_squeeze %dma_wait3A_116 : memref<1x64x128xf32, #tpu.memory_space<vmem>> -> memref<64x128xf32, #tpu.memory_space<vmem>>
    %dma_wait3A_118 = arith.constant 0 : i32
    %dma_wait3A_119 = arith.constant 0 : i32
    %dma_wait3A_120 = tpu.memref_slice %arg8[%rem3A_111, %dma_wait3A_118, %dma_wait3A_119] : memref<2x16x64xi32, #tpu.memory_space<vmem>> -> memref<1x16x64xi32, #tpu.memory_space<vmem>>
    %dma_wait3A_121 = tpu.memref_squeeze %dma_wait3A_120 : memref<1x16x64xi32, #tpu.memory_space<vmem>> -> memref<16x64xi32, #tpu.memory_space<vmem>>
    %dma_wait3A_122 = arith.constant 0 : i32
    %dma_wait3A_123 = tpu.memref_slice %dma_wait3A_121[%rem3A_114, %dma_wait3A_122] : memref<16x64xi32, #tpu.memory_space<vmem>> -> memref<1x64xi32, #tpu.memory_space<vmem>>
    %dma_wait3A_124 = tpu.memref_squeeze %dma_wait3A_123 : memref<1x64xi32, #tpu.memory_space<vmem>> -> memref<64xi32, #tpu.memory_space<vmem>>
    %dma_wait3A_125 = arith.constant 0 : i32
    %dma_wait3A_126 = arith.constant 0 : i32
    %dma_wait3A_127 = tpu.memref_slice %arg6[%dma_wait3A_125, %dma_wait3A_126] : memref<10240x128xf32, #tpu.memory_space<vmem_shared>> -> memref<10240x128xf32, #tpu.memory_space<vmem_shared>>
    %dma_wait3A_128 = tpu.memref_slice %arg12[%rem3A_108] : memref<3x!tpu.dma_semaphore, #tpu.memory_space<semaphore_mem>> -> memref<1x!tpu.dma_semaphore, #tpu.memory_space<semaphore_mem>>
    %dma_wait3A_129 = tpu.memref_squeeze %dma_wait3A_128 : memref<1x!tpu.dma_semaphore, #tpu.memory_space<semaphore_mem>> -> memref<!tpu.dma_semaphore, #tpu.memory_space<semaphore_mem>>
    tpu.wait_indirect_dma semaphore(%dma_wait3A_129 : memref<!tpu.dma_semaphore, #tpu.memory_space<semaphore_mem>>) src(%dma_wait3A_117 : memref<64x128xf32, #tpu.memory_space<vmem>>) dst(%dma_wait3A_127 : memref<10240x128xf32, #tpu.memory_space<vmem_shared>>)
    %barrier3A_130 = arith.constant 0 : index
    tpu.barrier barrier_id(%barrier3A_130)
    %mul3A_131 = arith.constant 640 : i32
    %mul3A_132 = arith.muli %mul3A_131, %arg1 : i32
    %mul3A_133 = arith.constant 640 : i32
    %mul3A_134 = arith.muli %mul3A_133, %arg1 : i32
    "tpu.region"() ({
      %run_scoped3A = tpu.sem_alloc : memref<!tpu.dma_semaphore, #tpu.memory_space<semaphore_mem>>
      %dma_start3A_135 = arith.constant 0 : i32
      %dma_start3A_136 = arith.constant 0 : i32
      %dma_start3A_137 = tpu.memref_slice %arg5[%arg0, %dma_start3A_135, %dma_start3A_136] : memref<2x10240x128xf32, #tpu.memory_space<hbm>> -> memref<1x10240x128xf32, #tpu.memory_space<hbm>>
      %dma_start3A_138 = tpu.memref_squeeze %dma_start3A_137 : memref<1x10240x128xf32, #tpu.memory_space<hbm>> -> memref<10240x128xf32, #tpu.memory_space<hbm>>
      %dma_start3A_139 = arith.constant 0 : i32
      %dma_start3A_140 = tpu.memref_slice %dma_start3A_138[%mul3A_134, %dma_start3A_139] : memref<10240x128xf32, #tpu.memory_space<hbm>> -> memref<640x128xf32, #tpu.memory_space<hbm>>
      %dma_start3A_141 = arith.constant 0 : i32
      %dma_start3A_142 = tpu.memref_slice %arg6[%mul3A_132, %dma_start3A_141] : memref<10240x128xf32, #tpu.memory_space<vmem_shared>> -> memref<640x128xf32, #tpu.memory_space<vmem_shared>>
      tpu.enqueue_dma source(%dma_start3A_142 : memref<640x128xf32, #tpu.memory_space<vmem_shared>>) target(%dma_start3A_140 : memref<640x128xf32, #tpu.memory_space<hbm>>) target_semaphore(%run_scoped3A : memref<!tpu.dma_semaphore, #tpu.memory_space<semaphore_mem>>)
      %dma_wait3A_143 = arith.constant 0 : i32
      %dma_wait3A_144 = arith.constant 0 : i32
      %dma_wait3A_145 = tpu.memref_slice %arg5[%arg0, %dma_wait3A_143, %dma_wait3A_144] : memref<2x10240x128xf32, #tpu.memory_space<hbm>> -> memref<1x10240x128xf32, #tpu.memory_space<hbm>>
      %dma_wait3A_146 = tpu.memref_squeeze %dma_wait3A_145 : memref<1x10240x128xf32, #tpu.memory_space<hbm>> -> memref<10240x128xf32, #tpu.memory_space<hbm>>
      %dma_wait3A_147 = arith.constant 0 : i32
      %dma_wait3A_148 = tpu.memref_slice %dma_wait3A_146[%mul3A_134, %dma_wait3A_147] : memref<10240x128xf32, #tpu.memory_space<hbm>> -> memref<640x128xf32, #tpu.memory_space<hbm>>
      %dma_wait3A_149 = arith.constant 0 : i32
      %dma_wait3A_150 = tpu.memref_slice %arg6[%mul3A_132, %dma_wait3A_149] : memref<10240x128xf32, #tpu.memory_space<vmem_shared>> -> memref<640x128xf32, #tpu.memory_space<vmem_shared>>
      tpu.wait_dma2 semaphore(%run_scoped3A : memref<!tpu.dma_semaphore, #tpu.memory_space<semaphore_mem>>) src(%dma_wait3A_150 : memref<640x128xf32, #tpu.memory_space<vmem_shared>>) dst(%dma_wait3A_148 : memref<640x128xf32, #tpu.memory_space<hbm>>)
      tpu.yield
    }) : () -> ()
    return
  }
}

module attributes {stable_mosaic.version = 14 : i64} {
  func.func @_ep_body(%arg0: i32, %arg1: memref<2x1000x128xf32, #tpu.memory_space<vmem>>, %arg2: memref<2x1000x1xf32, #tpu.memory_space<vmem>>, %arg3: memref<1x256xf32, #tpu.memory_space<vmem>>, %arg4: memref<1000x256xf32, #tpu.memory_space<vmem>>) attributes {dimension_semantics = [#tpu.dimension_semantics<arbitrary>], iteration_bounds = array<i64: 10>, scalar_prefetch = 0 : i64, scratch_operands = 0 : i64, tpu.core_type = #tpu.core_type<tc>, window_params = [{transform_indices = @transform_0, window_bounds = array<i64: 2, 1000, 128>}, {transform_indices = @transform_1, window_bounds = array<i64: 2, 1000, 1>}, {pipeline_mode = #tpu.pipeline_mode<synchronous>, transform_indices = @transform_2, window_bounds = array<i64: 1, 256>}, {transform_indices = @transform_3, window_bounds = array<i64: 1000, 256>}]} {
    %get3A = arith.constant 0 : index
    %get3A_0 = arith.constant 0 : index
    %get3A_1 = arith.constant 0 : index
    %get3A_2 = vector.load %arg2[%get3A, %get3A_0, %get3A_1] : memref<2x1000x1xf32, #tpu.memory_space<vmem>>, vector<1x1000x1xf32>
    %get3A_3 = vector.shape_cast %get3A_2 : vector<1x1000x1xf32> to vector<1000x1xf32>
    %get3A_4 = arith.constant 1 : index
    %get3A_5 = arith.constant 0 : index
    %get3A_6 = arith.constant 0 : index
    %get3A_7 = vector.load %arg2[%get3A_4, %get3A_5, %get3A_6] : memref<2x1000x1xf32, #tpu.memory_space<vmem>>, vector<1x1000x1xf32>
    %get3A_8 = vector.shape_cast %get3A_7 : vector<1x1000x1xf32> to vector<1000x1xf32>
    %add3A = arith.addf %get3A_3, %get3A_8 : vector<1000x1xf32>
    %rsqrt3A = math.rsqrt %add3A : vector<1000x1xf32>
    %get3A_9 = arith.constant 0 : index
    %get3A_10 = arith.constant 0 : index
    %get3A_11 = arith.constant 0 : index
    %get3A_12 = vector.load %arg1[%get3A_9, %get3A_10, %get3A_11] : memref<2x1000x128xf32, #tpu.memory_space<vmem>>, vector<1x1000x128xf32>
    %get3A_13 = vector.shape_cast %get3A_12 : vector<1x1000x128xf32> to vector<1000x128xf32>
    %mul3A = vector.broadcast %rsqrt3A : vector<1000x1xf32> to vector<1000x128xf32>
    %mul3A_14 = arith.mulf %get3A_13, %mul3A : vector<1000x128xf32>
    %get3A_15 = arith.constant 0 : index
    %get3A_16 = arith.constant 0 : index
    %get3A_17 = vector.load %arg3[%get3A_15, %get3A_16] : memref<1x256xf32, #tpu.memory_space<vmem>>, vector<1x128xf32>
    %get3A_18 = vector.shape_cast %get3A_17 : vector<1x128xf32> to vector<128xf32>
    %broadcast_in_dim3A = vector.shape_cast %get3A_18 : vector<128xf32> to vector<1x128xf32>
    %add3A_19 = vector.broadcast %broadcast_in_dim3A : vector<1x128xf32> to vector<1000x128xf32>
    %add3A_20 = arith.addf %mul3A_14, %add3A_19 : vector<1000x128xf32>
    %swap3A = arith.constant 0 : index
    %swap3A_21 = arith.constant 0 : index
    %swap3A_22 = vector.load %arg4[%swap3A, %swap3A_21] : memref<1000x256xf32, #tpu.memory_space<vmem>>, vector<1000x128xf32>
    tpu.vector_store %arg4[%swap3A, %swap3A_21], %add3A_20 {strides = array<i32>} : memref<1000x256xf32, #tpu.memory_space<vmem>>, vector<1000x128xf32>,
    %get3A_23 = arith.constant 1 : index
    %get3A_24 = arith.constant 0 : index
    %get3A_25 = arith.constant 0 : index
    %get3A_26 = vector.load %arg1[%get3A_23, %get3A_24, %get3A_25] : memref<2x1000x128xf32, #tpu.memory_space<vmem>>, vector<1x1000x128xf32>
    %get3A_27 = vector.shape_cast %get3A_26 : vector<1x1000x128xf32> to vector<1000x128xf32>
    %mul3A_28 = vector.broadcast %rsqrt3A : vector<1000x1xf32> to vector<1000x128xf32>
    %mul3A_29 = arith.mulf %get3A_27, %mul3A_28 : vector<1000x128xf32>
    %get3A_30 = arith.constant 0 : index
    %get3A_31 = arith.constant 128 : index
    %get3A_32 = vector.load %arg3[%get3A_30, %get3A_31] : memref<1x256xf32, #tpu.memory_space<vmem>>, vector<1x128xf32>
    %get3A_33 = vector.shape_cast %get3A_32 : vector<1x128xf32> to vector<128xf32>
    %broadcast_in_dim3A_34 = vector.shape_cast %get3A_33 : vector<128xf32> to vector<1x128xf32>
    %add3A_35 = vector.broadcast %broadcast_in_dim3A_34 : vector<1x128xf32> to vector<1000x128xf32>
    %add3A_36 = arith.addf %mul3A_29, %add3A_35 : vector<1000x128xf32>
    %swap3A_37 = arith.constant 0 : index
    %swap3A_38 = arith.constant 128 : index
    %swap3A_39 = vector.load %arg4[%swap3A_37, %swap3A_38] : memref<1000x256xf32, #tpu.memory_space<vmem>>, vector<1000x128xf32>
    tpu.vector_store %arg4[%swap3A_37, %swap3A_38], %add3A_36 {strides = array<i32>} : memref<1000x256xf32, #tpu.memory_space<vmem>>, vector<1000x128xf32>,
    return
  }
  func.func @transform_0(%arg0: i32) -> (i32, i32, i32) {
    %c0_i32 = arith.constant 0 : i32
    %c0_i32_0 = arith.constant 0 : i32
    %c0_i32_1 = arith.constant 0 : i32
    return %c0_i32, %arg0, %c0_i32_0 : i32, i32, i32
  }
  func.func @transform_1(%arg0: i32) -> (i32, i32, i32) {
    %c0_i32 = arith.constant 0 : i32
    %c0_i32_0 = arith.constant 0 : i32
    %c0_i32_1 = arith.constant 0 : i32
    return %c0_i32, %arg0, %c0_i32_0 : i32, i32, i32
  }
  func.func @transform_2(%arg0: i32) -> (i32, i32) {
    %c0_i32 = arith.constant 0 : i32
    %c0_i32_0 = arith.constant 0 : i32
    %c0_i32_1 = arith.constant 0 : i32
    return %c0_i32, %c0_i32_0 : i32, i32
  }
  func.func @transform_3(%arg0: i32) -> (i32, i32) {
    %c0_i32 = arith.constant 0 : i32
    %c0_i32_0 = arith.constant 0 : i32
    return %arg0, %c0_i32 : i32, i32
  }
}

module attributes {stable_mosaic.version = 14 : i64} {
  func.func @_mm_body(%arg0: i32, %arg1: i32, %arg2: memref<1000x256xf32, #tpu.memory_space<vmem>>, %arg3: memref<128x256xf32, #tpu.memory_space<vmem>>, %arg4: memref<2x1000x1xf32, #tpu.memory_space<vmem>>, %arg5: memref<1000x128xf32, #tpu.memory_space<vmem>>) attributes {dimension_semantics = [#tpu.dimension_semantics<arbitrary>, #tpu.dimension_semantics<arbitrary>], iteration_bounds = array<i64: 10, 2>, scalar_prefetch = 0 : i64, scratch_operands = 0 : i64, tpu.core_type = #tpu.core_type<tc>, window_params = [{transform_indices = @transform_0, window_bounds = array<i64: 1000, 256>}, {transform_indices = @transform_1, window_bounds = array<i64: 128, 256>}, {transform_indices = @transform_2, window_bounds = array<i64: 2, 1000, 1>}, {transform_indices = @transform_3, window_bounds = array<i64: 1000, 128>}]} {
    %get3A = arith.constant 0 : index
    %get3A_0 = arith.constant 0 : index
    %get3A_1 = arith.constant 0 : index
    %get3A_2 = vector.load %arg4[%get3A, %get3A_0, %get3A_1] : memref<2x1000x1xf32, #tpu.memory_space<vmem>>, vector<1x1000x1xf32>
    %get3A_3 = vector.shape_cast %get3A_2 : vector<1x1000x1xf32> to vector<1000x1xf32>
    %get3A_4 = arith.constant 1 : index
    %get3A_5 = arith.constant 0 : index
    %get3A_6 = arith.constant 0 : index
    %get3A_7 = vector.load %arg4[%get3A_4, %get3A_5, %get3A_6] : memref<2x1000x1xf32, #tpu.memory_space<vmem>>, vector<1x1000x1xf32>
    %get3A_8 = vector.shape_cast %get3A_7 : vector<1x1000x1xf32> to vector<1000x1xf32>
    %add3A = arith.addf %get3A_3, %get3A_8 : vector<1000x1xf32>
    %rsqrt3A = math.rsqrt %add3A : vector<1000x1xf32>
    %get3A_9 = arith.constant 0 : index
    %get3A_10 = arith.constant 0 : index
    %get3A_11 = vector.load %arg2[%get3A_9, %get3A_10] : memref<1000x256xf32, #tpu.memory_space<vmem>>, vector<1000x256xf32>
    %get3A_12 = arith.constant 0 : index
    %get3A_13 = arith.constant 0 : index
    %get3A_14 = vector.load %arg3[%get3A_12, %get3A_13] : memref<128x256xf32, #tpu.memory_space<vmem>>, vector<128x256xf32>
    %dot_general3A = arith.constant dense<0.000000e+00> : vector<1000x128xf32>
    %dot_general3A_15 = tpu.matmul %get3A_11, %get3A_14, %dot_general3A {dimension_numbers = #tpu.dot_dimension_numbers<[1], [1], [0], [0], [0, 0, 1, 0], [], []>, precision = #tpu.contract_precision<fp32>, transpose_lhs_hint = false} : vector<1000x256xf32>, vector<128x256xf32>, vector<1000x128xf32> -> vector<1000x128xf32>
    %mul3A = vector.broadcast %rsqrt3A : vector<1000x1xf32> to vector<1000x128xf32>
    %mul3A_16 = arith.mulf %dot_general3A_15, %mul3A : vector<1000x128xf32>
    %swap3A = arith.constant 0 : index
    %swap3A_17 = arith.constant 0 : index
    %swap3A_18 = vector.load %arg5[%swap3A, %swap3A_17] : memref<1000x128xf32, #tpu.memory_space<vmem>>, vector<1000x128xf32>
    tpu.vector_store %arg5[%swap3A, %swap3A_17], %mul3A_16 {strides = array<i32>} : memref<1000x128xf32, #tpu.memory_space<vmem>>, vector<1000x128xf32>,
    return
  }
  func.func @transform_0(%arg0: i32, %arg1: i32) -> (i32, i32) {
    %c0_i32 = arith.constant 0 : i32
    %c0_i32_0 = arith.constant 0 : i32
    return %arg0, %c0_i32 : i32, i32
  }
  func.func @transform_1(%arg0: i32, %arg1: i32) -> (i32, i32) {
    %c0_i32 = arith.constant 0 : i32
    %c0_i32_0 = arith.constant 0 : i32
    return %arg1, %c0_i32 : i32, i32
  }
  func.func @transform_2(%arg0: i32, %arg1: i32) -> (i32, i32, i32) {
    %c0_i32 = arith.constant 0 : i32
    %c0_i32_0 = arith.constant 0 : i32
    %c0_i32_1 = arith.constant 0 : i32
    return %c0_i32, %arg0, %c0_i32_0 : i32, i32, i32
  }
  func.func @transform_3(%arg0: i32, %arg1: i32) -> (i32, i32) {
    %mul3A = arith.constant 10 : i32
    %mul3A_0 = arith.muli %arg1, %mul3A : i32
    %add3A = arith.addi %mul3A_0, %arg0 : i32
    %c0_i32 = arith.constant 0 : i32
    %c0_i32_1 = arith.constant 0 : i32
    return %add3A, %c0_i32 : i32, i32
  }
}

</mosaic_0001>

<sc_bundles>
// kernel: kernel.6.cloned.1.call-start
scs
__scs_entry_jumppad:
0x0: {  	(pc) =	sbr.rel $0x88, $3  }
0x1: {  	(tag) =	ssettag $0x0;
	lr =	simm.s32 $0x1  }
0x2: {  	[smem:$0x3F9D] =	sst lr;
	_ =	strace $0xD0000000  }
0x3: {  	_ = 	snop  }
0x4: {  	_ = 	snop  }
0x5: {  	_ = 	snop  }
0x6: {  	_ = 	snop  }
0x7: {  	_ = 	snop  }
__scs_overlays_trampoline_lowered:
0x8: {  	[smem:$0x3FAC] =	sst s0  }
0x9: {  	[smem:$0x3FAD] =	sst s1  }
0xa: {  	[smem:$0x3FAE] =	sst s2  }
0xb: {  	[smem:$0x3FAF] =	sst s3  }
0xc: {  	[smem:$0x3FB0] =	sst s4  }
0xd: {  	[smem:$0x3FB1] =	sst s5  }
0xe: {  	[smem:$0x3FB2] =	sst s6  }
0xf: {  	[smem:$0x3FB3] =	sst s7  }
0x10: {  	[smem:$0x3FB4] =	sst s8  }
0x11: {  	[smem:$0x3FB5] =	sst s9;
	s0 =	simm.s32 @!p0 $0x0  }
0x12: {  	s1 =	sld [smem:$0x3F9B];
	s0 =	simm.s32 @p0 $0x1  }
0x13: {  	[smem:$0x3FB6] =	sst s0;
	s0 =	simm.s32 @!p1 $0x0  }
0x14: {  	s2 =	sld [smem:$0x3F9A];
	s0 =	simm.s32 @p1 $0x1  }
0x15: {  	[smem:$0x3FB7] =	sst s0;
	s0 =	simm.s32 @!p2 $0x0  }
0x16: {  	s3 =	sld [smem:$0x3FDB];
	s0 =	simm.s32 @p2 $0x1  }
0x17: {  	s4 =	simm.s32 $0x1BF5;
	[smem:$0x3FB9] =	sst s0  }
0x18: {  	s0 =	sld [smem:$0x3F9C];
	_ =	swait.ge [sflag:s4], $0x0  }
0x19: {  	s7 =	sld [smem:$0x3F9D]  }
0x1a: {  	s8 =	sadd.s32 $0xFFFFE003, lr  }
0x1b: {  	s9 =	sadd.s32 $0xFFFFFEF7, lr;
	s5 =	simm.s32 $0xFFFFFFFF;
	p2 =	slt.u32 s8, $0xFFFFF086  }
0x1c: {  	p1 =	slt.u32 s9, $0xF7A;
	s5 =	simm.s32 @!p2 $0x0  }
0x1d: {  	s5 =	simm.s32 @p1 $0x1;
	p0 =	seq.s32 s7, s2  }
0x1e: {  	s7 =	smul.u32 @!p0 $0xF7A, s2;
	p2 =	seq.s32 @!p0 s5, $0x0  }
0x1f: {  	s9 =	smul.u32 $0xF7A, s1;
	s8 =	simm.s32 @!p0 $0x1BF5;
	p2 =	por !p2, p0  }
0x20: {  	[sflag:s8] =	ssyncset.s32 @!p0 $0xFFFFF086;
	s6 =	sadd.s32 @!p0 s3, s7;
	s7 =	simm.s32 @!p0 $0x108  }
0x21: {  	s3 =	sadd.s32 s3, s9;
	s6 =	sadd.s32 @!p0 $0x88, s6;
	s7 =	simm.s32 @p2 $0x1082  }
0x22: {  	[simem:s7], [sflag:s8] =	dma.local @!p0 [hbm:s6], $0xF7A  }
0x23: {  	s9 =	sor.u32 $0xD0000000, s2;
	s6 =	simm.s32 $0x108;
	_ =	swait.ge @!p0 [sflag:s8], $0x0  }
0x24: {  	s3 =	sadd.s32 $0x88, s3;
	s6 =	simm.s32 @!p1 $0x1082;
	[sflag:s4] =	ssyncset.s32 $0xFFFFF086  }
0x25: {  	[simem:s6], [sflag:s4] =	dma.local [hbm:s3], $0xF7A  }
0x26: {  	[smem:$0x3F9D] =	sst s1;
	(tag) =	ssettag s2;
	_ =	strace s9  }
0x27: {  	s1 =	sld [smem:$0x3FAD]  }
0x28: {  	s2 =	sld [smem:$0x3FAE]  }
0x29: {  	s4 =	sld [smem:$0x3FB0]  }
0x2a: {  	p0 =	seq.s32 s5, $0x0;
	s5 =	sld [smem:$0x3FB1]  }
0x2b: {  	s6 =	sld [smem:$0x3FB2]  }
0x2c: {  	s7 =	sld [smem:$0x3FB3]  }
0x2d: {  	s3 =	simm.s32 $0x108;
	s8 =	sld [smem:$0x3FB4]  }
0x2e: {  	s3 =	simm.s32 @!p0 $0x1082;
	s9 =	sld [smem:$0x3FB5]  }
0x2f: {  	lr =	sadd.s32 s0, s3;
	s0 =	sld [smem:$0x3FAC]  }
0x30: {  	s3 =	sld [smem:$0x3FAF]  }
0x31: {  	[smem:$0x3FB8] =	sst s10  }
0x32: {  	s10 =	sld [smem:$0x3FB6];
	_ =	sdelay $0x3  }
0x33: {  	p0 =	seq.s32 s10, $0x1;
	s10 =	sld [smem:$0x3FB8];
	_ =	sdelay $0x3  }
0x34: {  	[smem:$0x3FB8] =	sst s10  }
0x35: {  	s10 =	sld [smem:$0x3FB7];
	_ =	sdelay $0x3  }
0x36: {  	p1 =	seq.s32 s10, $0x1;
	s10 =	sld [smem:$0x3FB8];
	_ =	sdelay $0x3  }
0x37: {  	[smem:$0x3FB8] =	sst s10  }
0x38: {  	s10 =	sld [smem:$0x3FB9]  }
0x39: {  	_ = 	snop;
	(pc) =	sbr.ind lr, $3  }
0x3a: {  	_ = 	snop  }
0x3b: {  	_ = 	snop  }
0x3c: {  	p2 =	seq.s32 s10, $0x1;
	s10 =	sld [smem:$0x3FB8]  }
0x3d: {  	_ =	shalt  }
0x3e: {  	_ =	shalt  }
0x3f: {  	_ =	shalt  }
0x40: {  	_ =	shalt  }
0x41: {  	_ =	shalt  }
0x42: {  	_ =	shalt  }
0x43: {  	_ =	shalt  }
0x44: {  	_ =	shalt  }
0x45: {  	_ =	shalt  }
0x46: {  	_ =	shalt  }
0x47: {  	_ =	shalt  }
0x48: {  	_ =	shalt  }
0x49: {  	_ =	shalt  }
0x4a: {  	_ =	shalt  }
0x4b: {  	_ =	shalt  }
0x4c: {  	_ =	shalt  }
0x4d: {  	_ =	shalt  }
0x4e: {  	_ =	shalt  }
0x4f: {  	_ =	shalt  }
0x50: {  	_ =	shalt  }
0x51: {  	_ =	shalt  }
0x52: {  	_ =	shalt  }
0x53: {  	_ =	shalt  }
0x54: {  	_ =	shalt  }
0x55: {  	_ =	shalt  }
0x56: {  	_ =	shalt  }
0x57: {  	_ =	shalt  }
0x58: {  	_ =	shalt  }
0x59: {  	_ =	shalt  }
0x5a: {  	_ =	shalt  }
0x5b: {  	_ =	shalt  }
0x5c: {  	_ =	shalt  }
0x5d: {  	_ =	shalt  }
0x5e: {  	_ =	shalt  }
0x5f: {  	_ =	shalt  }
0x60: {  	_ =	shalt  }
0x61: {  	_ =	shalt  }
0x62: {  	_ =	shalt  }
0x63: {  	_ =	shalt  }
0x64: {  	_ =	shalt  }
0x65: {  	_ =	shalt  }
0x66: {  	_ =	shalt  }
0x67: {  	_ =	shalt  }
0x68: {  	_ =	shalt  }
0x69: {  	_ =	shalt  }
0x6a: {  	_ =	shalt  }
0x6b: {  	_ =	shalt  }
0x6c: {  	_ =	shalt  }
0x6d: {  	_ =	shalt  }
0x6e: {  	_ =	shalt  }
0x6f: {  	_ =	shalt  }
0x70: {  	_ =	shalt  }
0x71: {  	_ =	shalt  }
0x72: {  	_ =	shalt  }
0x73: {  	_ =	shalt  }
0x74: {  	_ =	shalt  }
0x75: {  	_ =	shalt  }
0x76: {  	_ =	shalt  }
0x77: {  	_ =	shalt  }
0x78: {  	_ =	shalt  }
0x79: {  	_ =	shalt  }
0x7a: {  	_ =	shalt  }
0x7b: {  	_ =	shalt  }
0x7c: {  	_ =	shalt  }
0x7d: {  	_ =	shalt  }
0x7e: {  	_ =	shalt  }
0x7f: {  	_ =	shalt  }
0x80: {  	_ =	shalt  }
0x81: {  	_ =	shalt  }
0x82: {  	_ =	shalt  }
0x83: {  	_ =	shalt  }
0x84: {  	_ =	shalt  }
0x85: {  	_ =	shalt  }
0x86: {  	_ =	shalt  }
0x87: {  	_ =	shalt  }
.Lfunc_end0:
.L_simem_size_0:
called_computation_lowered:
.L_overlay_start_0:
0x88: {  	s2 =	sld [smem:$0x3FD9]  }
0x89: {  	s3 =	sld [smem:$0x3FFE];
	_ =	sdelay $0x1  }
0x8a: {  	s1 =	srdreg.scid  }
0x8b: {  	s0 =	sand.u32 $0x1, s1  }
0x8c: {  	s17 =	sshll.u32 s0, $0xA;
	s2 =	sadd.s32 s3, s2  }
0x8d: {  	s2 =	sadd.s32 s2, s17  }
0x8e: {  	[smem:$0x3FC4] =	sst s2  }
0x8f: {  	_ = 	snop  }
0x90: {  	s2 =	sld [smem:$0x3FD0];
	(tm) =	ssettm $0x1  }
0x91: {  	s18 =	sld [smem:$0x3FFB];
	_ =	sdelay $0x3  }
0x92: {  	_ =	strace s18  }
0x93: {  	s3 =	sld [smem:$0x3FFC];
	_ =	sdelay $0x3  }
0x94: {  	_ =	strace s3  }
0x95: {  	s3 =	sld [smem:$0x3FFD];
	_ =	sdelay $0x3  }
0x96: {  	_ =	strace s3  }
0x97: {  	_ =	strace $0x8FFFFFFF  }
0x98: {  	s19 =	sld [smem:$0x3FDB];
	_ =	sdelay $0x1  }
0x99: {  	s4 =	simm.s32 $_scs_section_size  }
0x9a: {  	s5 =	simm.s32 $_size__tile_overlayer_lowered;
	s6 =	simm.s32 $_tile_overlayer_lowered  }
0x9b: {  	s22 =	simm.s32 $0x1BFF;
	s21 =	sshll.u32 s6, $0x1;
	s3 =	sadd.s32 s4, s19  }
0x9c: {  	s7 =	simm.s32 $0x0;
	s20 =	sshll.u32 s5, $0x1;
	s5 =	sadd.s32 s21, s3  }
0x9d: {  	[timem:s7], [sflag:s22] =	dma.local [hbm:s5], s20  }
0x9e: {  	_ =	swait.ge [sflag:s22], s20  }
0x9f: {  	s4 =	ssub.s32 $0x0, s20;
	[sflag:s22] =	ssyncset.done $0x0  }
0xa0: {  	[sflag:s22] =	ssyncadd.s32 s4;
	_ =	sdelay $0x1  }
0xa1: {  	s23 =	simm.s32 $0x1B8B  }
0xa2: {  	_ =	swait.ge [sflag:s23], $0x1  }
0xa3: {  	[sflag:s23] =	ssyncset.done $0x0  }
0xa4: {  	s25 =	simm.s32 $0x1B8E;
	s24 =	sld [smem:$0x3FFE];
	[sflag:s23] =	ssyncadd.s32 $0xFFFFFFFF  }
0xa5: {  	s26 =	simm.s32 $execute0_lowered;
	[smem:$0x3FD2] =	sst s25  }
0xa6: {  	s5 =	sshll.u32 s26, $0x1;
	_ =	strace $0x80000046;
	[dreg:$0x1] =	wrdreg $0xFFFFFFFF  }
0xa7: {  	s28 =	simm.s32 $_size_execute0_lowered;
	s3 =	sadd.s32 s3, s5;
	[dreg:$0x0] =	wrdreg $0x0  }
0xa8: {  	s5 =	sshll.u32 s28, $0x1;
	[dreg:$0x2] =	wrdreg s3  }
0xa9: {  	[dreg:$0x3] =	wrdreg s5  }
0xaa: {  	[dreg:$0x4] =	wrdreg $0xC0  }
0xab: {  	_ =	task [dreg:s7], $0x5FFFF  }
0xac: {  	[dreg:$0x1] =	wrdreg $0xFFFFFFFF  }
0xad: {  	[dreg:$0x0] =	wrdreg $0x60  }
0xae: {  	[dreg:$0x2] =	wrdreg s2  }
0xaf: {  	[dreg:$0x3] =	wrdreg s24  }
0xb0: {  	[dreg:$0x4] =	wrdreg $0x0  }
0xb1: {  	[dreg:$0x5] =	wrdreg $0x9  }
0xb2: {  	_ =	task.clear_ibuf [dreg:s7], $0x6FFFF;
	_ =	strace $0x90000046  }
0xb3: {  	s29 =	simm.s32 $0x9;
	_ =	strace $0x80000048  }
0xb4: {  	_ =	swait.ge [sflag:s29], $0x1  }
0xb5: {  	[sflag:s29] =	ssyncadd.s32 $0xFFFFFFFF  }
0xb6: {  	_ =	strace $0x90000048  }
0xb7: {  	_ =	sfence  }
0xb8: {  	s30 =	sld [smem:$0x0];
	_ =	sdelay $0x2  }
0xb9: {  	s31 =	sshll.u32 s1, $0xD;
	s1 =	sshrl.u32 s1, $0x2  }
0xba: {  	s3 =	sand.u32 $0x4000, s31;
	s1 =	sadd.s32 s1, s30  }
0xbb: {  	s0 =	sor.u32 s3, s0;
	s1 =	sshll.u32 s1, $0x11  }
0xbc: {  	s0 =	sor.u32 s1, s0  }
0xbd: {  	s0 =	sadd.s32 $0x8F2B, s0  }
0xbe: {  	[sflag:s0] =	ssyncadd.remote.s32 $0x1  }
0xbf: {  	_ =	sfence.sel $0xFFFF  }
0xc0: {  	[dreg:$0x0] =	wrdreg $0xFFFFFFFF;
	(pc) =	sbr.abs _section_cstart, $3  }
0xc1: {  	[dreg:$0x1] =	wrdreg $0xFFFFFFFF  }
0xc2: {  	_ =	task.clear_ibuf [dreg:s7], $0x2FFFF;
	_ =	strace $0x9FFFFFFF  }
0xc3: {  	(tm) =	ssettm $0x7FFFFFFF  }
tec
execute0_lowered:
.L_overlay_start_1:
0x0: {  	(tag) =	ssettag $0x1  }
0x1: {  	s4 =	rddreg [dreg:$0x0]  }
0x2: {  	s5 =	rddreg [dreg:$0x1]  }
0x3: {  	s1 =	rddreg [dreg:$0x2]  }
0x4: {  	s2 =	srdreg.scid;
	s0 =	rddreg [dreg:$0x3];
	s3 =	simm.s32 $0x0  }
0x5: {  	s10 =	simm.s32 $0x80;
	s11 =	simm.s32 $0x1680;
	s15 =	simm.s32 $0x20  }
0x6: {  	s16 =	simm.s32 $0x10;
	s17 =	simm.s32 $0x0;
	s6 =	sand.u32 $0x1, s2  }
0x7: {  	s2 =	stileid.u32;
	[smem:$0x7FF] =	sst s3;
	s7 =	sshll.u32 s6, $0x4  }
0x8: {  	s9 =	smul.u32 $0xA00, s2;
	_ =	strace $0x80000047;
	s6 =	ssub.s32 $0x2, s6  }
0x9: {  	s13 =	smul.u32 $0xA0, s2;
	s14 =	sshll.u32 s2, $0x6;
	s8 =	sor.u32 s2, s7  }
0xa: {  	s7 =	sadd.s32 s7, s5;
	s31 =	sshrl.u32 s6, $0x1;
	s8 =	smul.u32 $0x280, s8  }
0xb: {  	s9 =	sshrl.u32 s9, $0x2;
	s6 =	ssub.s32 s6, s31;
	s12 =	sadd.s32 $0x2200, s7  }
0xc: {  	s7 =	simm.s32 $0x280;
	s5 =	sadd.s32 s9, s1;
	s6 =	smax.u32 s6, $0x1  }
0xd: {  	s9 =	simm.s32 $0x1700;
	s12 =	sadd.s32 s13, s12;
	s13 =	sor.u32 $0x1C01, s14  }
0xe: {  	v0 =	vimm.f32 $1.000000000e+00;
	v1 =	vimm.f32 $0.0e+00;
	s4 =	sadd.s32 s4, s8;
	s8 =	simm.s32 $0x1;
	s14 =	sshrl.u32 s5, $0x3  }
.LBB2_1:
0xf: {  	[tilespmem:s7], [sflag:$0x1] =	stream.linear.gather [hbm4b:s4+s3], $0x1400, $0x38;
	[tilespmem:$0x1980] =	vst v63  }
0x10: {  	_ =	swait.ge [sflag:s8], $0x1400  }
0x11: {  	[sflag:s8] =	ssyncset.done $0x0  }
0x12: {  	[sflag:s8] =	ssyncadd.s32 $0xFFFFEC00  }
0x13: {  	[tilespmem:$0x1680] =	vst v0  }
0x14: {  	[tilespmem:$0x1690] =	vst v0  }
0x15: {  	[tilespmem:$0x16A0] =	vst v0  }
0x16: {  	[tilespmem:$0x16B0] =	vst v0  }
0x17: {  	[tilespmem:$0x16C0] =	vst v0  }
0x18: {  	[tilespmem:$0x16D0] =	vst v0  }
0x19: {  	[tilespmem:$0x16E0] =	vst v0  }
0x1a: {  	[tilespmem:$0x16F0] =	vst v0  }
0x1b: {  	[tilespmem:$0x1700] =	vst v1  }
0x1c: {  	[tilespmem:$0x1710] =	vst v1  }
0x1d: {  	[tilespmem:$0x1720] =	vst v1  }
0x1e: {  	[tilespmem:$0x1730] =	vst v1  }
0x1f: {  	[tilespmem:$0x1740] =	vst v1  }
0x20: {  	[tilespmem:$0x1750] =	vst v1  }
0x21: {  	[tilespmem:$0x1760] =	vst v1  }
0x22: {  	[tilespmem:$0x1770] =	vst v1  }
0x23: {  	[tilespmem:$0x1780] =	vst v1  }
0x24: {  	[tilespmem:$0x1790] =	vst v1  }
0x25: {  	[tilespmem:$0x17A0] =	vst v1  }
0x26: {  	[tilespmem:$0x17B0] =	vst v1  }
0x27: {  	[tilespmem:$0x17C0] =	vst v1  }
0x28: {  	[tilespmem:$0x17D0] =	vst v1  }
0x29: {  	[tilespmem:$0x17E0] =	vst v1  }
0x2a: {  	[tilespmem:$0x17F0] =	vst v1  }
0x2b: {  	[tilespmem:$0x1800] =	vst v1  }
0x2c: {  	[tilespmem:$0x1810] =	vst v1  }
0x2d: {  	[tilespmem:$0x1820] =	vst v1  }
0x2e: {  	[tilespmem:$0x1830] =	vst v1  }
0x2f: {  	[tilespmem:$0x1840] =	vst v1  }
0x30: {  	[tilespmem:$0x1850] =	vst v1  }
0x31: {  	[tilespmem:$0x1860] =	vst v1  }
0x32: {  	[tilespmem:$0x1870] =	vst v1  }
0x33: {  	[tilespmem:$0x1880] =	vst v1  }
0x34: {  	[tilespmem:$0x1890] =	vst v1  }
0x35: {  	[tilespmem:$0x18A0] =	vst v1  }
0x36: {  	[tilespmem:$0x18B0] =	vst v1  }
0x37: {  	[tilespmem:$0x18C0] =	vst v1  }
0x38: {  	[tilespmem:$0x18D0] =	vst v1  }
0x39: {  	[tilespmem:$0x18E0] =	vst v1  }
0x3a: {  	[tilespmem:$0x18F0] =	vst v1  }
0x3b: {  	[tilespmem:$0x1900] =	vst v1  }
0x3c: {  	[tilespmem:$0x1910] =	vst v1  }
0x3d: {  	[tilespmem:$0x1920] =	vst v1  }
0x3e: {  	[tilespmem:$0x1930] =	vst v1  }
0x3f: {  	[tilespmem:$0x1940] =	vst v1  }
0x40: {  	[tilespmem:$0x1950] =	vst v1  }
0x41: {  	[tilespmem:$0x1960] =	vst v1  }
0x42: {  	[tilespmem:$0x1970] =	vst v1  }
0x43: {  	[spmem:s5] =	stream.linear.scatter [tilespmem:s9], [sflag:$0x1], $0x280, $0x38;
	[tilespmem:$0x1980] =	vst v63  }
0x44: {  	_ =	swait.ge [sflag:s8], $0x280  }
0x45: {  	[sflag:s8] =	ssyncset.done $0x0  }
0x46: {  	[sflag:s8] =	ssyncadd.s32 $0xFFFFFD80  }
0x47: {  	s18 =	simm.s32 $0x280;
	[bflag:$0x0] =	sbarrier.arrive $0xFFFF  }
0x48: {  	[spmem:s1] =	stream.indirect.scatter.add.f32 [tilespmem:s11], [sflag:$0x1], $0x1, s18, s10, $0xb8;
	[tilespmem:$0x1980] =	vst v63  }
0x49: {  	s18 =	simm.s32 $0x200;
	_ =	swait.ge [sflag:s8], $0x80  }
.LBB2_2:
0x4a: {  	s19 =	sshra.s32 s18, $0x2;
	[sflag:s8] =	ssyncset.done $0x0;
	p0 =	sne.s32 s18, $0x4E00  }
.Ltmp0:
0x4b: {  	s19 =	sadd.s32 $0x280, s19;
	[sflag:s8] =	ssyncadd.s32 $0xFFFFFF80;
	(pc) =	sbr.rel @p0 .LBB2_2-.Ltmp0, $3  }
0x4c: {  	[spmem:s1] =	stream.indirect.scatter.add.f32 [tilespmem:s11], [sflag:$0x1], $0x1, s19, s10, $0xb8;
	[tilespmem:$0x1980] =	vst v63  }
0x4d: {  	s18 =	sadd.s32 $0x200, s18;
	_ =	sdelay $0x1  }
0x4e: {  	_ =	swait.ge [sflag:s8], $0x80  }
0x4f: {  	[sflag:s8] =	ssyncset.done $0x0;
	s17 =	sadd.s32 $0x1, s17  }
0x50: {  	[sflag:s8] =	ssyncadd.s32 $0xFFFFFF80;
	p0 =	sne.s32 s17, s6  }
.Ltmp1:
0x51: {  	[bflag:$0x0] =	sbarrier.arrive $0xFFFF;
	(pc) =	sbr.rel @p0 .LBB2_1-.Ltmp1, $4  }
0x52: {  	[hbm:s12@s15], [sflag:s13] =	dma.strided [spmem:s14@s16], $0x50, s8, $0x10   }
0x53: {  	_ =	swait.ge [sflag:s8], $0x50  }
0x54: {  	[sflag:s8] =	ssyncset.done $0x0  }
0x55: {  	[sflag:s8] =	ssyncadd.s32 $0xFFFFFFB0  }
0x56: {  	_ =	sfence.sel $0x180000  }
0x57: {  	[bflag:$0x0] =	sbarrier.arrive $0xFFFF  }
0x58: {  	p0 =	sne.s32 s2, $0x0;
	_ =	strace $0x90000047  }
0x59: {  	s0 =	sadd.s32 @!p0 $0x100000, s0;
	[bflag:$0x2] =	sbarrier.arrive $0xFFFF  }
0x5a: {  	[sflag:s0] =	ssyncadd.tile.s32 @!p0 $0x1;
	_ =	shalt  }
.Lfunc_end2:
_tile_overlayer_lowered:
.L_overlay_start_2:
0x5b: {  	(tag) =	ssettag $0x2  }
0x5c: {  	s0 =	rddreg [dreg:$0x0];
	s2 =	stileid.u32  }
0x5d: {  	s1 =	rddreg [dreg:$0x1];
	p0 =	sne.s32 s2, $0x0  }
0x5e: {  	s3 =	rddreg [dreg:$0x2];
	[bflag:$0x3] =	sbarrier.arrive $0xFFFF;
	s2 =	simm.s32 @!p0 $0x1C01  }
0x5f: {  	[timem:s3], [sflag:s2] =	dma.local @!p0 [hbm:s0], s1  }
0x60: {  	s0 =	simm.s32 @!p0 $0x1  }
0x61: {  	_ =	swait.ge @!p0 [sflag:s0], s1  }
0x62: {  	s1 =	ssub.s32 @!p0 $0x0, s1;
	[sflag:s0] =	ssyncset.done @!p0 $0x0  }
0x63: {  	[sflag:s0] =	ssyncadd.s32 @!p0 s1  }
0x64: {  	[bflag:$0x3] =	sbarrier.arrive $0xFFFF  }
0x65: {  	_ =	shalt  }

// kernel: kernel.9.cloned.1.call-start
scs
__scs_entry_jumppad:
0x0: {  	(pc) =	sbr.rel $0x88, $3  }
0x1: {  	(tag) =	ssettag $0x0;
	lr =	simm.s32 $0x1  }
0x2: {  	[smem:$0x3F9D] =	sst lr;
	_ =	strace $0xD0000000  }
0x3: {  	_ = 	snop  }
0x4: {  	_ = 	snop  }
0x5: {  	_ = 	snop  }
0x6: {  	_ = 	snop  }
0x7: {  	_ = 	snop  }
__scs_overlays_trampoline_lowered:
0x8: {  	[smem:$0x3FAC] =	sst s0  }
0x9: {  	[smem:$0x3FAD] =	sst s1  }
0xa: {  	[smem:$0x3FAE] =	sst s2  }
0xb: {  	[smem:$0x3FAF] =	sst s3  }
0xc: {  	[smem:$0x3FB0] =	sst s4  }
0xd: {  	[smem:$0x3FB1] =	sst s5  }
0xe: {  	[smem:$0x3FB2] =	sst s6  }
0xf: {  	[smem:$0x3FB3] =	sst s7  }
0x10: {  	[smem:$0x3FB4] =	sst s8  }
0x11: {  	[smem:$0x3FB5] =	sst s9;
	s0 =	simm.s32 @!p0 $0x0  }
0x12: {  	s1 =	sld [smem:$0x3F9B];
	s0 =	simm.s32 @p0 $0x1  }
0x13: {  	[smem:$0x3FB6] =	sst s0;
	s0 =	simm.s32 @!p1 $0x0  }
0x14: {  	s2 =	sld [smem:$0x3F9A];
	s0 =	simm.s32 @p1 $0x1  }
0x15: {  	[smem:$0x3FB7] =	sst s0;
	s0 =	simm.s32 @!p2 $0x0  }
0x16: {  	s3 =	sld [smem:$0x3FDB];
	s0 =	simm.s32 @p2 $0x1  }
0x17: {  	s4 =	simm.s32 $0x1BF5;
	[smem:$0x3FB9] =	sst s0  }
0x18: {  	s0 =	sld [smem:$0x3F9C];
	_ =	swait.ge [sflag:s4], $0x0  }
0x19: {  	s7 =	sld [smem:$0x3F9D]  }
0x1a: {  	s8 =	sadd.s32 $0xFFFFE003, lr  }
0x1b: {  	s9 =	sadd.s32 $0xFFFFFEF7, lr;
	s5 =	simm.s32 $0xFFFFFFFF;
	p2 =	slt.u32 s8, $0xFFFFF086  }
0x1c: {  	p1 =	slt.u32 s9, $0xF7A;
	s5 =	simm.s32 @!p2 $0x0  }
0x1d: {  	s5 =	simm.s32 @p1 $0x1;
	p0 =	seq.s32 s7, s2  }
0x1e: {  	s7 =	smul.u32 @!p0 $0xF7A, s2;
	p2 =	seq.s32 @!p0 s5, $0x0  }
0x1f: {  	s9 =	smul.u32 $0xF7A, s1;
	s8 =	simm.s32 @!p0 $0x1BF5;
	p2 =	por !p2, p0  }
0x20: {  	[sflag:s8] =	ssyncset.s32 @!p0 $0xFFFFF086;
	s6 =	sadd.s32 @!p0 s3, s7;
	s7 =	simm.s32 @!p0 $0x108  }
0x21: {  	s3 =	sadd.s32 s3, s9;
	s6 =	sadd.s32 @!p0 $0x88, s6;
	s7 =	simm.s32 @p2 $0x1082  }
0x22: {  	[simem:s7], [sflag:s8] =	dma.local @!p0 [hbm:s6], $0xF7A  }
0x23: {  	s9 =	sor.u32 $0xD0000000, s2;
	s6 =	simm.s32 $0x108;
	_ =	swait.ge @!p0 [sflag:s8], $0x0  }
0x24: {  	s3 =	sadd.s32 $0x88, s3;
	s6 =	simm.s32 @!p1 $0x1082;
	[sflag:s4] =	ssyncset.s32 $0xFFFFF086  }
0x25: {  	[simem:s6], [sflag:s4] =	dma.local [hbm:s3], $0xF7A  }
0x26: {  	[smem:$0x3F9D] =	sst s1;
	(tag) =	ssettag s2;
	_ =	strace s9  }
0x27: {  	s1 =	sld [smem:$0x3FAD]  }
0x28: {  	s2 =	sld [smem:$0x3FAE]  }
0x29: {  	s4 =	sld [smem:$0x3FB0]  }
0x2a: {  	p0 =	seq.s32 s5, $0x0;
	s5 =	sld [smem:$0x3FB1]  }
0x2b: {  	s6 =	sld [smem:$0x3FB2]  }
0x2c: {  	s7 =	sld [smem:$0x3FB3]  }
0x2d: {  	s3 =	simm.s32 $0x108;
	s8 =	sld [smem:$0x3FB4]  }
0x2e: {  	s3 =	simm.s32 @!p0 $0x1082;
	s9 =	sld [smem:$0x3FB5]  }
0x2f: {  	lr =	sadd.s32 s0, s3;
	s0 =	sld [smem:$0x3FAC]  }
0x30: {  	s3 =	sld [smem:$0x3FAF]  }
0x31: {  	[smem:$0x3FB8] =	sst s10  }
0x32: {  	s10 =	sld [smem:$0x3FB6];
	_ =	sdelay $0x3  }
0x33: {  	p0 =	seq.s32 s10, $0x1;
	s10 =	sld [smem:$0x3FB8];
	_ =	sdelay $0x3  }
0x34: {  	[smem:$0x3FB8] =	sst s10  }
0x35: {  	s10 =	sld [smem:$0x3FB7];
	_ =	sdelay $0x3  }
0x36: {  	p1 =	seq.s32 s10, $0x1;
	s10 =	sld [smem:$0x3FB8];
	_ =	sdelay $0x3  }
0x37: {  	[smem:$0x3FB8] =	sst s10  }
0x38: {  	s10 =	sld [smem:$0x3FB9]  }
0x39: {  	_ = 	snop;
	(pc) =	sbr.ind lr, $3  }
0x3a: {  	_ = 	snop  }
0x3b: {  	_ = 	snop  }
0x3c: {  	p2 =	seq.s32 s10, $0x1;
	s10 =	sld [smem:$0x3FB8]  }
0x3d: {  	_ =	shalt  }
0x3e: {  	_ =	shalt  }
0x3f: {  	_ =	shalt  }
0x40: {  	_ =	shalt  }
0x41: {  	_ =	shalt  }
0x42: {  	_ =	shalt  }
0x43: {  	_ =	shalt  }
0x44: {  	_ =	shalt  }
0x45: {  	_ =	shalt  }
0x46: {  	_ =	shalt  }
0x47: {  	_ =	shalt  }
0x48: {  	_ =	shalt  }
0x49: {  	_ =	shalt  }
0x4a: {  	_ =	shalt  }
0x4b: {  	_ =	shalt  }
0x4c: {  	_ =	shalt  }
0x4d: {  	_ =	shalt  }
0x4e: {  	_ =	shalt  }
0x4f: {  	_ =	shalt  }
0x50: {  	_ =	shalt  }
0x51: {  	_ =	shalt  }
0x52: {  	_ =	shalt  }
0x53: {  	_ =	shalt  }
0x54: {  	_ =	shalt  }
0x55: {  	_ =	shalt  }
0x56: {  	_ =	shalt  }
0x57: {  	_ =	shalt  }
0x58: {  	_ =	shalt  }
0x59: {  	_ =	shalt  }
0x5a: {  	_ =	shalt  }
0x5b: {  	_ =	shalt  }
0x5c: {  	_ =	shalt  }
0x5d: {  	_ =	shalt  }
0x5e: {  	_ =	shalt  }
0x5f: {  	_ =	shalt  }
0x60: {  	_ =	shalt  }
0x61: {  	_ =	shalt  }
0x62: {  	_ =	shalt  }
0x63: {  	_ =	shalt  }
0x64: {  	_ =	shalt  }
0x65: {  	_ =	shalt  }
0x66: {  	_ =	shalt  }
0x67: {  	_ =	shalt  }
0x68: {  	_ =	shalt  }
0x69: {  	_ =	shalt  }
0x6a: {  	_ =	shalt  }
0x6b: {  	_ =	shalt  }
0x6c: {  	_ =	shalt  }
0x6d: {  	_ =	shalt  }
0x6e: {  	_ =	shalt  }
0x6f: {  	_ =	shalt  }
0x70: {  	_ =	shalt  }
0x71: {  	_ =	shalt  }
0x72: {  	_ =	shalt  }
0x73: {  	_ =	shalt  }
0x74: {  	_ =	shalt  }
0x75: {  	_ =	shalt  }
0x76: {  	_ =	shalt  }
0x77: {  	_ =	shalt  }
0x78: {  	_ =	shalt  }
0x79: {  	_ =	shalt  }
0x7a: {  	_ =	shalt  }
0x7b: {  	_ =	shalt  }
0x7c: {  	_ =	shalt  }
0x7d: {  	_ =	shalt  }
0x7e: {  	_ =	shalt  }
0x7f: {  	_ =	shalt  }
0x80: {  	_ =	shalt  }
0x81: {  	_ =	shalt  }
0x82: {  	_ =	shalt  }
0x83: {  	_ =	shalt  }
0x84: {  	_ =	shalt  }
0x85: {  	_ =	shalt  }
0x86: {  	_ =	shalt  }
0x87: {  	_ =	shalt  }
.Lfunc_end0:
.L_simem_size_0:
called_computation.1_lowered:
.L_overlay_start_0:
0x88: {  	s2 =	sld [smem:$0x3FD9]  }
0x89: {  	s3 =	sld [smem:$0x3FFE];
	_ =	sdelay $0x1  }
0x8a: {  	s1 =	srdreg.scid  }
0x8b: {  	s0 =	sand.u32 $0x1, s1  }
0x8c: {  	s17 =	sshll.u32 s0, $0xA;
	s2 =	sadd.s32 s3, s2  }
0x8d: {  	s2 =	sadd.s32 s2, s17  }
0x8e: {  	[smem:$0x3FC4] =	sst s2  }
0x8f: {  	_ = 	snop  }
0x90: {  	s2 =	sld [smem:$0x3FD0];
	(tm) =	ssettm $0x1  }
0x91: {  	s18 =	sld [smem:$0x3FFB];
	_ =	sdelay $0x3  }
0x92: {  	_ =	strace s18  }
0x93: {  	s3 =	sld [smem:$0x3FFC];
	_ =	sdelay $0x3  }
0x94: {  	_ =	strace s3  }
0x95: {  	s3 =	sld [smem:$0x3FFD];
	_ =	sdelay $0x3  }
0x96: {  	_ =	strace s3  }
0x97: {  	_ =	strace $0x8FFFFFFF  }
0x98: {  	s19 =	sld [smem:$0x3FDB];
	_ =	sdelay $0x1  }
0x99: {  	s4 =	simm.s32 $_scs_section_size  }
0x9a: {  	s5 =	simm.s32 $_size__tile_overlayer_lowered;
	s6 =	simm.s32 $_tile_overlayer_lowered  }
0x9b: {  	s22 =	simm.s32 $0x1BFF;
	s21 =	sshll.u32 s6, $0x1;
	s3 =	sadd.s32 s4, s19  }
0x9c: {  	s7 =	simm.s32 $0x0;
	s20 =	sshll.u32 s5, $0x1;
	s5 =	sadd.s32 s21, s3  }
0x9d: {  	[timem:s7], [sflag:s22] =	dma.local [hbm:s5], s20  }
0x9e: {  	_ =	swait.ge [sflag:s22], s20  }
0x9f: {  	s4 =	ssub.s32 $0x0, s20;
	[sflag:s22] =	ssyncset.done $0x0  }
0xa0: {  	[sflag:s22] =	ssyncadd.s32 s4;
	_ =	sdelay $0x1  }
0xa1: {  	s23 =	simm.s32 $0x1B8B  }
0xa2: {  	_ =	swait.ge [sflag:s23], $0x1  }
0xa3: {  	[sflag:s23] =	ssyncset.done $0x0  }
0xa4: {  	s25 =	simm.s32 $0x1B8E;
	s24 =	sld [smem:$0x3FFE];
	[sflag:s23] =	ssyncadd.s32 $0xFFFFFFFF  }
0xa5: {  	s26 =	simm.s32 $execute0_lowered;
	[smem:$0x3FD2] =	sst s25  }
0xa6: {  	s5 =	sshll.u32 s26, $0x1;
	_ =	strace $0x80000049;
	[dreg:$0x1] =	wrdreg $0xFFFFFFFF  }
0xa7: {  	s28 =	simm.s32 $_size_execute0_lowered;
	s3 =	sadd.s32 s3, s5;
	[dreg:$0x0] =	wrdreg $0x0  }
0xa8: {  	s5 =	sshll.u32 s28, $0x1;
	[dreg:$0x2] =	wrdreg s3  }
0xa9: {  	[dreg:$0x3] =	wrdreg s5  }
0xaa: {  	[dreg:$0x4] =	wrdreg $0xC0  }
0xab: {  	_ =	task [dreg:s7], $0x5FFFF  }
0xac: {  	[dreg:$0x1] =	wrdreg $0xFFFFFFFF  }
0xad: {  	[dreg:$0x0] =	wrdreg $0x60  }
0xae: {  	[dreg:$0x2] =	wrdreg s24  }
0xaf: {  	[dreg:$0x3] =	wrdreg s2  }
0xb0: {  	[dreg:$0x4] =	wrdreg $0x0  }
0xb1: {  	[dreg:$0x5] =	wrdreg $0x9  }
0xb2: {  	_ =	task.clear_ibuf [dreg:s7], $0x6FFFF;
	_ =	strace $0x90000049  }
0xb3: {  	s29 =	simm.s32 $0x9;
	_ =	strace $0x8000004B  }
0xb4: {  	_ =	swait.ge [sflag:s29], $0x1  }
0xb5: {  	[sflag:s29] =	ssyncadd.s32 $0xFFFFFFFF  }
0xb6: {  	_ =	strace $0x9000004B  }
0xb7: {  	_ =	sfence  }
0xb8: {  	s30 =	sld [smem:$0x0];
	_ =	sdelay $0x2  }
0xb9: {  	s31 =	sshll.u32 s1, $0xD;
	s1 =	sshrl.u32 s1, $0x2  }
0xba: {  	s3 =	sand.u32 $0x4000, s31;
	s1 =	sadd.s32 s1, s30  }
0xbb: {  	s0 =	sor.u32 s3, s0;
	s1 =	sshll.u32 s1, $0x11  }
0xbc: {  	s0 =	sor.u32 s1, s0  }
0xbd: {  	s0 =	sadd.s32 $0x8F2B, s0  }
0xbe: {  	[sflag:s0] =	ssyncadd.remote.s32 $0x1  }
0xbf: {  	_ =	sfence.sel $0xFFFF  }
0xc0: {  	[dreg:$0x0] =	wrdreg $0xFFFFFFFF;
	(pc) =	sbr.abs _section_cstart, $3  }
0xc1: {  	[dreg:$0x1] =	wrdreg $0xFFFFFFFF  }
0xc2: {  	_ =	task.clear_ibuf [dreg:s7], $0x2FFFF;
	_ =	strace $0x9FFFFFFF  }
0xc3: {  	(tm) =	ssettm $0x7FFFFFFF  }
tec
execute0_lowered:
.L_overlay_start_1:
0x0: {  	(tag) =	ssettag $0x1  }
0x1: {  	s11 =	stileid.u32  }
0x2: {  	s0 =	rddreg [dreg:$0x0];
	s8 =	smul.u32 $0x500, s11  }
0x3: {  	s1 =	rddreg [dreg:$0x1];
	s9 =	smul.u32 $0x50000, s11  }
0x4: {  	s4 =	srdreg.scid;
	s10 =	smul.u32 $0xA, s11  }
0x5: {  	s2 =	rddreg [dreg:$0x2];
	s4 =	sand.u32 $0x1, s4;
	s19 =	smul.u32 $0xA00, s11  }
0x6: {  	s3 =	simm.s32 $0x0;
	s31 =	simm.s32 $0x4;
	s5 =	smul.u32 $0x5000, s4  }
0x7: {  	[smem:$0x7FF] =	sst s3;
	s6 =	smul.u32 $0x28000, s4;
	s4 =	ssub.s32 $0x2, s4  }
0x8: {  	s30 =	smul.u32 $0x2800, s11;
	_ =	strace $0x8000004A;
	s18 =	sshrl.u32 s4, $0x1  }
0x9: {  	s9 =	sshrl.u32 s9, $0x2;
	s7 =	sadd.s32 s5, s0;
	s5 =	sadd.s32 $0x2C00, s0  }
0xa: {  	[dreg:$0x4] =	wrdreg s10;
	s7 =	sadd.s32 s8, s7;
	s21 =	sadd.s32 s5, s19  }
0xb: {  	s20 =	sadd.s32 $0xCC00, s7;
	s7 =	sadd.s32 s9, s2;
	[dreg:$0x6] =	wrdreg s21  }
0xc: {  	s0 =	sadd.s32 s6, s0;
	[dreg:$0x5] =	wrdreg s20;
	s22 =	sadd.s32 $0x2000, s7  }
0xd: {  	s4 =	ssub.s32 s4, s18;
	s23 =	sadd.s32 $0x4000, s7;
	[dreg:$0x7] =	wrdreg s22  }
0xe: {  	s0 =	sadd.s32 $0x66C00, s0;
	s24 =	sadd.s32 $0x6000, s7;
	[dreg:$0x8] =	wrdreg s23  }
0xf: {  	s18 =	smax.u32 s4, $0x1;
	s25 =	sadd.s32 $0x8000, s7;
	[dreg:$0x9] =	wrdreg s24  }
0x10: {  	s19 =	simm.s32 $0x14000;
	s26 =	sadd.s32 $0xA000, s7;
	[dreg:$0xa] =	wrdreg s25  }
0x11: {  	s28 =	sadd.s32 $0xC000, s7;
	s29 =	sadd.s32 $0xE000, s7;
	[dreg:$0xb] =	wrdreg s26  }
0x12: {  	s16 =	sadd.s32 $0x10000, s7;
	s17 =	sadd.s32 $0x12000, s7;
	[dreg:$0xc] =	wrdreg s28  }
0x13: {  	s20 =	simm.s32 $0x9;
	[dreg:$0xd] =	wrdreg s29;
	s22 =	simm.s32 $0x1D800  }
0x14: {  	v0 =	vimm.f32 $0.0e+00;
	s23 =	simm.s32 $0x40;
	s24 =	sadd.s32 s30, s0;
	s0 =	simm.s32 $0x0  }
.LBB2_1:
0x15: {  	s4 =	rddreg [dreg:$0x5]  }
0x16: {  	[tilespmem:s19], [sflag:$0x9] =	stream.linear.gather [hbm4b:s4+s3], $0x2800, $0x38;
	[tilespmem:$0x1F800] =	vst v63  }
0x17: {  	_ =	swait.ge [sflag:s20], $0x2800  }
0x18: {  	[sflag:s20] =	ssyncset.done $0x0  }
0x19: {  	s6 =	simm.s32 $0x16800;
	s28 =	rddreg [dreg:$0x6];
	[sflag:s20] =	ssyncadd.s32 $0xFFFFD800  }
0x1a: {  	[tilespmem:s6], [sflag:$0x9] =	stream.linear.gather [hbm4b:s28+s3], $0x1000, $0x38;
	[tilespmem:$0x1F800] =	vst v63  }
0x1b: {  	s29 =	sand.u32 $0x7E00, s3;
	s30 =	sand.u32 $0x70, s3;
	_ =	swait.ge [sflag:s20], $0x1000  }
0x1c: {  	s8 =	sshrl.u32 s29, $0x2;
	s4 =	simm.s32 $0x40;
	[sflag:s20] =	ssyncset.done $0x0  }
0x1d: {  	s8 =	sor.u32 s30, s8;
	s6 =	simm.s32 $0x0;
	[sflag:s20] =	ssyncadd.s32 $0xFFFFF000  }
.LBB2_2:
0x1e: {  	p0 =	sne.s32 s4, $0x7FC0  }
0x1f: {  	[tilespmem:s8+$0x1D800] =	vst v0;
	s6 =	sadd.s32 $0x10, s6;
	s8 =	smov.u32 s4;
	s4 =	sadd.s32 $0x40, s4  }
.Ltmp0:
0x20: {  	(pc) =	sbr.rel @p0 .LBB2_2-.Ltmp0, $4  }
0x21: {  	_ = 	snop  }
0x22: {  	s8 =	sand.u32 $0x7E00, s8  }
0x23: {  	s9 =	sand.u32 $0x70, s6;
	s8 =	sshrl.u32 s8, $0x2  }
0x24: {  	s8 =	sor.u32 s9, s8  }
0x25: {  	[tilespmem:s8+$0x1D800] =	vst v0  }
0x26: {  	[spmem:s7] =	stream.linear.scatter [tilespmem:s22], [sflag:$0x9], $0x2000, $0x38;
	[tilespmem:$0x1F800] =	vst v63  }
0x27: {  	_ =	swait.ge [sflag:s20], $0x2000  }
0x28: {  	[sflag:s20] =	ssyncset.done $0x0  }
0x29: {  	s4 =	rddreg [dreg:$0x7];
	[sflag:s20] =	ssyncadd.s32 $0xFFFFE000  }
0x2a: {  	[spmem:s4] =	stream.linear.scatter [tilespmem:s22], [sflag:$0x9], $0x2000, $0x38;
	[tilespmem:$0x1F800] =	vst v63  }
0x2b: {  	_ =	swait.ge [sflag:s20], $0x2000  }
0x2c: {  	[sflag:s20] =	ssyncset.done $0x0  }
0x2d: {  	s6 =	rddreg [dreg:$0x8];
	[sflag:s20] =	ssyncadd.s32 $0xFFFFE000  }
0x2e: {  	[spmem:s6] =	stream.linear.scatter [tilespmem:s22], [sflag:$0x9], $0x2000, $0x38;
	[tilespmem:$0x1F800] =	vst v63  }
0x2f: {  	_ =	swait.ge [sflag:s20], $0x2000  }
0x30: {  	[sflag:s20] =	ssyncset.done $0x0  }
0x31: {  	s8 =	rddreg [dreg:$0x9];
	[sflag:s20] =	ssyncadd.s32 $0xFFFFE000  }
0x32: {  	[spmem:s8] =	stream.linear.scatter [tilespmem:s22], [sflag:$0x9], $0x2000, $0x38;
	[tilespmem:$0x1F800] =	vst v63  }
0x33: {  	_ =	swait.ge [sflag:s20], $0x2000  }
0x34: {  	[sflag:s20] =	ssyncset.done $0x0  }
0x35: {  	s9 =	rddreg [dreg:$0xa];
	[sflag:s20] =	ssyncadd.s32 $0xFFFFE000  }
0x36: {  	[spmem:s9] =	stream.linear.scatter [tilespmem:s22], [sflag:$0x9], $0x2000, $0x38;
	[tilespmem:$0x1F800] =	vst v63  }
0x37: {  	_ =	swait.ge [sflag:s20], $0x2000  }
0x38: {  	[sflag:s20] =	ssyncset.done $0x0  }
0x39: {  	s10 =	rddreg [dreg:$0xb];
	[sflag:s20] =	ssyncadd.s32 $0xFFFFE000  }
0x3a: {  	[spmem:s10] =	stream.linear.scatter [tilespmem:s22], [sflag:$0x9], $0x2000, $0x38;
	[tilespmem:$0x1F800] =	vst v63  }
0x3b: {  	_ =	swait.ge [sflag:s20], $0x2000  }
0x3c: {  	[sflag:s20] =	ssyncset.done $0x0  }
0x3d: {  	s11 =	rddreg [dreg:$0xc];
	[sflag:s20] =	ssyncadd.s32 $0xFFFFE000  }
0x3e: {  	[spmem:s11] =	stream.linear.scatter [tilespmem:s22], [sflag:$0x9], $0x2000, $0x38;
	[tilespmem:$0x1F800] =	vst v63  }
0x3f: {  	_ =	swait.ge [sflag:s20], $0x2000  }
0x40: {  	s13 =	simm.s32 $0x17800;
	[sflag:s20] =	ssyncset.done $0x0  }
0x41: {  	s14 =	simm.s32 $0x14040;
	s12 =	rddreg [dreg:$0xd];
	[sflag:s20] =	ssyncadd.s32 $0xFFFFE000  }
0x42: {  	[spmem:s12] =	stream.linear.scatter [tilespmem:s22], [sflag:$0x9], $0x2000, $0x38;
	[tilespmem:$0x1F800] =	vst v63  }
0x43: {  	s15 =	simm.s32 $0x14080;
	s21 =	simm.s32 $0x1B800;
	_ =	swait.ge [sflag:s20], $0x2000  }
0x44: {  	s25 =	simm.s32 $0x0;
	p3 =	por $0x1, $0x1;
	[sflag:s20] =	ssyncset.done $0x0  }
0x45: {  	s29 =	simm.s32 $0x0;
	p0 =	por $0x1, $0x1;
	[sflag:s20] =	ssyncadd.s32 $0xFFFFE000  }
0x46: {  	[spmem:s16] =	stream.linear.scatter [tilespmem:s22], [sflag:$0x9], $0x2000, $0x38;
	[tilespmem:$0x1F800] =	vst v63  }
0x47: {  	s26 =	smul.u32 $0xAB, s25;
	s29 =	sand.u32 $0x800, s29;
	_ =	swait.ge [sflag:s20], $0x2000  }
0x48: {  	s30 =	simm.s32 @!p0 $0x2;
	p2 =	por @!p0 $0x0, $0x0;
	[sflag:s20] =	ssyncset.done $0x0  }
0x49: {  	s30 =	sand.u32 @!p0 $0xFF, s30;
	s8 =	sshrl.u32 s26, $0x9;
	[sflag:s20] =	ssyncadd.s32 $0xFFFFE000  }
0x4a: {  	[spmem:s17] =	stream.linear.scatter [tilespmem:s22], [sflag:$0x9], $0x2000, $0x38;
	[tilespmem:$0x1F800] =	vst v63  }
0x4b: {  	p1 =	por p2, p0;
	s8 =	sand.u32 $0x7F, s8;
	_ =	swait.ge [sflag:s20], $0x2000  }
0x4c: {  	s4 =	simm.s32 $0x0;
	s8 =	smul.u32 $0x3, s8;
	[sflag:s20] =	ssyncset.done $0x0  }
0x4d: {  	s4 =	sand.u32 @!p1 $0x40, s4;
	s6 =	simm.s32 $0x19800;
	[sflag:s20] =	ssyncadd.s32 $0xFFFFE000  }
0x4e: {  	s9 =	simm.s32 $0x200;
	s8 =	ssub.s32 $0x0, s8;
	[bflag:$0x0] =	sbarrier.arrive $0xFFFF  }
0x4f: {  	[tilespmem:s13], [sflag:$0x1] =	stream.indirect.gather [hbm4b:s1+s23], $0x80, s19, s23, $0xb8;
	[tilespmem:$0x1F800] =	vst v63  }
0x50: {  	s26 =	simm.s32 $0x300;
	s8 =	sand.u32 $0xFF, s8;
	s9 =	sand.u32 @!p1 $0x1FE00, s9  }
0x51: {  	[tilespmem:s6], [sflag:$0x2] =	stream.indirect.gather [hbm4b:s1+s23], $0x80, s14, s23, $0xb8;
	[tilespmem:$0x1F800] =	vst v63  }
0x52: {  	s10 =	simm.s32 $0x0;
	s6 =	sand.u32 $0xF, s25;
	s25 =	simm.s32 $0x40  }
0x53: {  	[tilespmem:s21], [sflag:$0x3] =	stream.indirect.gather [hbm4b:s1+s23], $0x80, s15, s23, $0xb8;
	[tilespmem:$0x1F800] =	vst v63  }
0x54: {  	p4 =	sne.s32 @!p3 s6, $0x0;
	s28 =	sshll.u32 s6, $0x7;
	s21 =	simm.s32 $0xFFFFFFF1  }
0x55: {  	s28 =	sor.u32 s28, s29;
	s29 =	smul.u32 @!p0 $0xAB, s30;
	s30 =	sadd.s32 $0x1, s8  }
0x56: {  	p3 =	por p4, p3;
	p4 =	por @!p1 $0x1, $0x1;
	_ =	swait.ge [sflag:s30], $0x2000  }
0x57: {  	s10 =	sand.u32 @!p3 $0x1, s10;
	p5 =	por @!p0 p4, p2;
	s28 =	sadd.s32 $0x16800, s28  }
0x58: {  	s29 =	sshrl.u32 @!p0 s29, $0x9;
	[sflag:s30] =	ssyncset.done $0x0;
	s10 =	sadd.s32 @!p3 $0x7, s10  }
0x59: {  	p5 =	por p5, p0;
	s29 =	smul.u32 @!p0 $0x3, s29;
	[sflag:s30] =	ssyncadd.s32 $0xFFFFE000  }
0x5a: {  	s30 =	sshll.u32 s8, $0xD;
	p5 =	sne.s32 @!p5 s6, $0x0;
	_ =	swait.ge @!p3 [sflag:s10], $0x800  }
0x5b: {  	s6 =	sshrl.u32 @!p1 s9, $0x2;
	s8 =	sadd.s32 $0x4, s8;
	[sflag:s10] =	ssyncset.done @!p3 $0x0  }
0x5c: {  	s4 =	sor.u32 @!p1 s4, s6;
	[sflag:s10] =	ssyncadd.s32 @!p3 $0xFFFFF800;
	p3 =	por @!p1 p5, p4  }
0x5d: {  	s30 =	sadd.s32 $0x17800, s30;
	s29 =	ssub.s32 @!p0 $0x2, s29;
	p2 =	por @!p0 p3, p2  }
0x5e: {  	[spmem:s2] =	stream.indirect.scatter.add.f32 [tilespmem:s30], [sflag:s8], $0x80, s28, s23, $0xb8;
	[tilespmem:$0x1F800] =	vst v63  }
0x5f: {  	s4 =	sadd.s32 @!p1 $0x14000, s4;
	s9 =	sand.u32 @!p0 $0xFF, s29;
	p3 =	por p2, p0  }
0x60: {  	s29 =	sor.u32 @!p0 $0x4, s9;
	s10 =	sshll.u32 @!p1 s9, $0xD;
	s6 =	simm.s32 @!p3 $0x1  }
0x61: {  	s9 =	sadd.s32 @!p1 $0x1, s9;
	s10 =	sadd.s32 @!p1 $0x17800, s10;
	s8 =	sand.u32 @!p3 $0x1, s6  }
0x62: {  	s30 =	simm.s32 @!p3 $0x0;
	s28 =	sshll.u32 @!p3 s8, $0xB;
	s8 =	sadd.s32 @!p3 $0x7, s8  }
.LBB2_4:
0x63: {  	_ =	swait.ge @!p0 [sflag:s29], $0x2000;
	s11 =	sadd.s32 @!p3 $0x16800, s28  }
0x64: {  	s12 =	smov.u32 s21;
	s21 =	sadd.s32 $0x1, s21;
	s28 =	smov.u32 s25  }
0x65: {  	s13 =	smov.u32 s26;
	s25 =	sadd.s32 $0x40, s25;
	[sflag:s29] =	ssyncset.done @!p0 $0x0  }
0x66: {  	s14 =	rddreg [dreg:$0x4];
	[sflag:s29] =	ssyncadd.s32 @!p0 $0xFFFFE000;
	s29 =	simm.s32 @!p1 $0x40  }
0x67: {  	[tilespmem:s10], [sflag:s9] =	stream.indirect.gather @!p1 [hbm4b:s1+s29], $0x80, s4, s29, $0xb8;
	[tilespmem:$0x1F800] =	vst v63  }
0x68: {  	s26 =	sadd.s32 $0x100, s26;
	s4 =	sadd.s32 @!p3 s14, s6;
	s6 =	sadd.s32 $0x10, s12  }
0x69: {  	p2 =	sne.s32 s21, $0x90;
	s4 =	sshll.u32 @!p3 s4, $0x8;
	s15 =	smul.u32 $0xAB, s6  }
0x6a: {  	s10 =	sand.u32 $0xF, s6;
	p4 =	slt.u32 s6, $0x20;
	s4 =	sadd.s32 @!p3 s5, s4  }
0x6b: {  	[tilespmem:s11], [sflag:s8] =	stream.linear.gather @!p3 [hbm4b:s4+s30], $0x800, $0x38;
	[tilespmem:$0x1F800] =	vst v63  }
0x6c: {  	p0 =	seq.s32 s12, $0xFFFFFFF0;
	p5 =	sne.s32 @!p4 s10, $0x0;
	s14 =	sshrl.u32 s15, $0x9  }
0x6d: {  	s9 =	sshll.u32 s10, $0x7;
	s8 =	sshrl.u32 s6, $0x4;
	s4 =	sand.u32 $0x7F, s14  }
0x6e: {  	p3 =	sgt.u32 @!p0 s6, $0x9D;
	p5 =	por p5, p4;
	s4 =	smul.u32 $0x3, s4  }
0x6f: {  	s15 =	sshll.u32 s8, $0xB;
	s14 =	sadd.s32 @!p0 $0x12, s12;
	p1 =	por p3, p0  }
0x70: {  	s11 =	sand.u32 $0x800, s15;
	s4 =	ssub.s32 s6, s4;
	s6 =	sand.u32 @!p0 $0xFF, s14  }
0x71: {  	p4 =	sgt.u32 @!p1 s12, $0x7F;
	s15 =	sand.u32 $0xFF, s4;
	s4 =	smul.u32 @!p0 $0xAB, s6  }
0x72: {  	s11 =	sor.u32 s9, s11;
	s9 =	sand.u32 @!p5 $0x1, s8;
	s6 =	sadd.s32 $0x1, s15  }
0x73: {  	p6 =	por @!p0 p4, p3;
	_ =	swait.ge [sflag:s6], $0x2000;
	s4 =	sshrl.u32 @!p0 s4, $0x9  }
0x74: {  	s9 =	sadd.s32 @!p5 $0x7, s9;
	[sflag:s6] =	ssyncset.done $0x0;
	s4 =	smul.u32 @!p0 $0x3, s4  }
0x75: {  	p6 =	por p6, p0;
	s11 =	sadd.s32 $0x16800, s11;
	[sflag:s6] =	ssyncadd.s32 $0xFFFFE000  }
0x76: {  	s6 =	sand.u32 @!p1 $0x1FE00, s13;
	_ =	swait.ge @!p5 [sflag:s9], $0x800;
	s4 =	ssub.s32 @!p0 s14, s4  }
0x77: {  	s14 =	sshll.u32 s15, $0xD;
	s6 =	sshrl.u32 @!p1 s6, $0x2;
	[sflag:s9] =	ssyncset.done @!p5 $0x0  }
0x78: {  	s15 =	sadd.s32 $0x4, s15;
	[sflag:s9] =	ssyncadd.s32 @!p5 $0xFFFFF800;
	p5 =	sne.s32 @!p6 s10, $0x0  }
0x79: {  	s12 =	sadd.s32 $0x17800, s14;
	s9 =	sand.u32 @!p0 $0xFF, s4;
	p4 =	por @!p1 p5, p4  }
0x7a: {  	[spmem:s2] =	stream.indirect.scatter.add.f32 [tilespmem:s12], [sflag:s15], $0x80, s11, s23, $0xb8;
	[tilespmem:$0x1F800] =	vst v63  }
.Ltmp1:
0x7b: {  	s4 =	sand.u32 @!p1 $0x40, s28;
	p3 =	por @!p0 p4, p3;
	(pc) =	sbr.rel @p2 .LBB2_4-.Ltmp1, $4  }
0x7c: {  	s29 =	sor.u32 @!p0 $0x4, s9;
	s10 =	sshll.u32 @!p1 s9, $0xD;
	p3 =	por p3, p0  }
0x7d: {  	s4 =	sor.u32 @!p1 s4, s6;
	s9 =	sadd.s32 @!p1 $0x1, s9;
	s6 =	sadd.s32 @!p3 $0x1, s8  }
0x7e: {  	s4 =	sadd.s32 @!p1 $0x14000, s4;
	s10 =	sadd.s32 @!p1 $0x17800, s10;
	s8 =	sand.u32 @!p3 $0x1, s6  }
0x7f: {  	s30 =	simm.s32 @!p3 $0x0;
	s28 =	sshll.u32 @!p3 s8, $0xB;
	s8 =	sadd.s32 @!p3 $0x7, s8  }
0x80: {  	_ =	swait.ge @!p0 [sflag:s29], $0x2000  }
0x81: {  	[sflag:s29] =	ssyncset.done @!p0 $0x0  }
0x82: {  	s12 =	simm.s32 @!p1 $0x40;
	s11 =	rddreg [dreg:$0x4];
	[sflag:s29] =	ssyncadd.s32 @!p0 $0xFFFFE000  }
0x83: {  	[tilespmem:s10], [sflag:s9] =	stream.indirect.gather @!p1 [hbm4b:s1+s12], $0x80, s4, s12, $0xb8;
	[tilespmem:$0x1F800] =	vst v63  }
0x84: {  	s4 =	sadd.s32 @!p3 s11, s6  }
0x85: {  	s4 =	sshll.u32 @!p3 s4, $0x8  }
0x86: {  	s6 =	sadd.s32 @!p3 $0x16800, s28;
	s4 =	sadd.s32 @!p3 s5, s4  }
0x87: {  	[tilespmem:s6], [sflag:s8] =	stream.linear.gather @!p3 [hbm4b:s4+s30], $0x800, $0x38;
	[tilespmem:$0x1F800] =	vst v63  }
0x88: {  	s0 =	sadd.s32 $0x1, s0;
	_ =	swait.ge [sflag:s31], $0x2000  }
0x89: {  	s29 =	stileid.u32;
	p0 =	sne.s32 s0, s18;
	[sflag:s31] =	ssyncset.done $0x0  }
0x8a: {  	s4 =	sshll.u32 s29, $0x6;
	s30 =	sshrl.u32 s7, $0x3;
	[sflag:s31] =	ssyncadd.s32 $0xFFFFE000  }
.Ltmp2:
0x8b: {  	s4 =	sor.u32 $0x1C09, s4;
	[bflag:$0x0] =	sbarrier.arrive $0xFFFF;
	(pc) =	sbr.rel @p0 .LBB2_1-.Ltmp2, $4  }
0x8c: {  	[hbm:s24], [sflag:s4] =	dma.local [spmem:s30], $0x2800  }
0x8d: {  	_ =	swait.ge [sflag:s20], $0x2800  }
0x8e: {  	[sflag:s20] =	ssyncset.done $0x0  }
0x8f: {  	[sflag:s20] =	ssyncadd.s32 $0xFFFFD800  }
0x90: {  	_ =	sfence.sel $0x180000  }
0x91: {  	[bflag:$0x0] =	sbarrier.arrive $0xFFFF  }
0x92: {  	_ =	strace $0x9000004A  }
0x93: {  	s0 =	stileid.u32;
	[bflag:$0x2] =	sbarrier.arrive $0xFFFF  }
0x94: {  	p0 =	sne.s32 s0, $0x0;
	s0 =	rddreg [dreg:$0x3]  }
0x95: {  	s0 =	sadd.s32 @!p0 $0x100000, s0  }
0x96: {  	[sflag:s0] =	ssyncadd.tile.s32 @!p0 $0x1;
	_ =	shalt  }
.Lfunc_end2:
_tile_overlayer_lowered:
.L_overlay_start_2:
0x97: {  	(tag) =	ssettag $0x2  }
0x98: {  	s0 =	rddreg [dreg:$0x0];
	s2 =	stileid.u32  }
0x99: {  	s1 =	rddreg [dreg:$0x1];
	p0 =	sne.s32 s2, $0x0  }
0x9a: {  	s3 =	rddreg [dreg:$0x2];
	[bflag:$0x3] =	sbarrier.arrive $0xFFFF;
	s2 =	simm.s32 @!p0 $0x1C09  }
0x9b: {  	[timem:s3], [sflag:s2] =	dma.local @!p0 [hbm:s0], s1  }
0x9c: {  	s0 =	simm.s32 @!p0 $0x9  }
0x9d: {  	_ =	swait.ge @!p0 [sflag:s0], s1  }
0x9e: {  	s1 =	ssub.s32 @!p0 $0x0, s1;
	[sflag:s0] =	ssyncset.done @!p0 $0x0  }
0x9f: {  	[sflag:s0] =	ssyncadd.s32 @!p0 s1  }
0xa0: {  	[bflag:$0x3] =	sbarrier.arrive $0xFFFF  }
0xa1: {  	_ =	shalt  }

</sc_bundles>
